<compile_context>
chip_gen: v7x
topology: tpu7x:2x2x1
jax: 0.10.2.dev20260603
libtpu: 0.0.44.dev20260713+nightly
codegen_flags: <defaults>
</compile_context>

<pallas_src>
import jax
import jax.numpy as jnp
from jax.experimental import pallas as pl
from jax.experimental.pallas import tpu as pltpu

_GRID = 50
_APL = 8
_TOTAL = _GRID * _GRID * _APL
_PRE = 6000
_POST = 1500
_THR = 0.7
_N = 6144
_C = 512
_K = _N // _C
_R = 1536


def _nms_kernel(d_ref, a_ref, s_ref, outb_ref, outs_ref, alive_ref, rows_ref):
    d = d_ref[0]
    a = a_ref[0]
    sc = s_ref[0]

    a0, a1, a2, a3 = a[0:1, :], a[1:2, :], a[2:3, :], a[3:4, :]
    anc_w = a3 - a1
    anc_h = a2 - a0
    anc_cx = a1 + 0.5 * anc_w
    anc_cy = a0 + 0.5 * anc_h
    d0 = d[0:1, :] * 0.1
    d1 = d[1:2, :] * 0.1
    d2 = d[2:3, :] * 0.2
    d3 = d[3:4, :] * 0.2
    bb_w = jnp.exp(d3) * anc_w
    bb_h = jnp.exp(d2) * anc_h
    bb_cx = d1 * anc_w + anc_cx
    bb_cy = d0 * anc_h + anc_cy
    y1 = bb_cy - 0.5 * bb_h
    x1 = bb_cx - 0.5 * bb_w
    y2 = y1 + bb_h
    x2 = x1 + bb_w
    area = (y2 - y1) * (x2 - x1)

    rows_ref[0:1, :] = y1
    rows_ref[1:2, :] = x1
    rows_ref[2:3, :] = y2
    rows_ref[3:4, :] = x2
    rows_ref[4:5, :] = area
    rows_ref[5:6, :] = sc

    outb_ref[...] = jnp.zeros(outb_ref.shape, jnp.float32)
    outs_ref[...] = jnp.zeros(outs_ref.shape, jnp.float32)

    i0 = jax.lax.broadcasted_iota(jnp.int32, (_C, _C), 0)
    i1 = jax.lax.broadcasted_iota(jnp.int32, (_C, _C), 1)
    eye = jnp.where(i0 == i1, 1.0, 0.0)
    tri = jnp.where(i1 < i0, 1.0, 0.0)
    le = jnp.where(i0 <= i1, 1.0, 0.0)
    rlane = jax.lax.broadcasted_iota(jnp.int32, (1, _R), 1)

    def to_col(row):
        return jnp.sum(eye * row, axis=1, keepdims=True)

    def bslice(r, k):
        return rows_ref[r:r + 1, pl.ds(k * _C, _C)]

    def iou_mask(cy1, cx1, cy2, cx2, car, py1, px1, py2, px2, par):
        iy1 = jnp.maximum(py1, cy1)
        ix1 = jnp.maximum(px1, cx1)
        iy2 = jnp.minimum(py2, cy2)
        ix2 = jnp.minimum(px2, cx2)
        inter = jnp.maximum(iy2 - iy1, 0.0) * jnp.maximum(ix2 - ix1, 0.0)
        iou = inter / (par + car - inter + 1e-8)
        return jnp.where(iou > _THR, 1.0, 0.0)

    def body_k(k, off):
        ry1, rx1 = bslice(0, k), bslice(1, k)
        ry2, rx2 = bslice(2, k), bslice(3, k)
        rar, rsc = bslice(4, k), bslice(5, k)
        cy1, cx1 = to_col(ry1), to_col(rx1)
        cy2, cx2 = to_col(ry2), to_col(rx2)
        car, csc = to_col(rar), to_col(rsc)
        gidx = k * _C + jax.lax.broadcasted_iota(jnp.int32, (_C, 1), 0)
        valid = jnp.where(gidx < _PRE, 1.0, 0.0)

        def body_p(p, supp):
            py1, px1 = bslice(0, p), bslice(1, p)
            py2, px2 = bslice(2, p), bslice(3, p)
            par = bslice(4, p)
            alive_p = alive_ref[pl.ds(p, 1), 0:1, :].reshape(1, _C)
            m = iou_mask(cy1, cx1, cy2, cx2, car, py1, px1, py2, px2, par)
            return jnp.maximum(supp,
                               jnp.max(m * alive_p, axis=1, keepdims=True))

        supp = jax.lax.fori_loop(0, k, body_p, jnp.zeros((_C, 1), jnp.float32))
        cand = valid * (1.0 - supp)

        md = iou_mask(cy1, cx1, cy2, cx2, car,
                      ry1, rx1, ry2, rx2, rar) * tri

        def fix_cond(st):
            it, ch, _ = st
            return (ch > 0.0) & (it < _C)

        def fix_body(st):
            it, _, srow = st
            kill = jnp.max(md * srow, axis=1, keepdims=True)
            scol = cand * (1.0 - kill)
            srow2 = jnp.sum(eye * scol, axis=0, keepdims=True)
            ch = jnp.max(jnp.abs(srow2 - srow))
            return it + 1, ch, srow2

        srow0 = jnp.sum(eye * cand, axis=0, keepdims=True)
        _, _, srow = jax.lax.while_loop(
            fix_cond, fix_body, (jnp.int32(0), jnp.float32(1.0), srow0))
        scol = cand * (1.0 - jnp.max(md * srow, axis=1, keepdims=True))

        alive_ref[pl.ds(k, 1), 0:1, :] = srow.reshape(1, 1, _C)

        incl = jnp.sum(le * scol, axis=0, keepdims=True)
        cnt = jnp.sum(scol)
        rank_row = jnp.where(srow > 0.5, off + incl - 1.0, -1.0)
        rank_col = to_col(rank_row)
        onehot = jnp.where(rank_col.astype(jnp.int32) == rlane, 1.0, 0.0)

        ccy1 = jnp.clip(cy1, 0.0, 1.0)
        ccx1 = jnp.clip(cx1, 0.0, 1.0)
        ccy2 = jnp.clip(cy2, 0.0, 1.0)
        ccx2 = jnp.clip(cx2, 0.0, 1.0)
        for c, v in enumerate((ccy1, ccx1, ccy2, ccx2)):
            outb_ref[0:1, c:c + 1, :] = outb_ref[0:1, c:c + 1, :] + jnp.sum(
                onehot * v, axis=0, keepdims=True).reshape(1, 1, _R)
        outs_ref[0:1, 0:1, :] = outs_ref[0:1, 0:1, :] + jnp.sum(
            onehot * csc, axis=0, keepdims=True).reshape(1, 1, _R)
        return off + cnt

    def outer_cond(st):
        k, off = st
        return (k < _K) & (off < float(_POST))

    def outer_body(st):
        k, off = st
        return k + 1, body_k(k, off)

    jax.lax.while_loop(outer_cond, outer_body, (jnp.int32(0), jnp.float32(0.0)))


def kernel(rpn_bbox_deltas, rpn_labels, anchors):
    b = rpn_bbox_deltas.shape[0]
    deltas = rpn_bbox_deltas.reshape(b, _TOTAL, 4)
    scores = jax.nn.softmax(rpn_labels, axis=-1).reshape(b, _TOTAL)
    ssc, idx = jax.lax.top_k(scores, _PRE)
    pad = _N - _PRE
    idx_p = jnp.pad(idx, ((0, 0), (0, pad)))[:, None, :]
    deltas_t = deltas.transpose(0, 2, 1)
    anchors_t = jnp.broadcast_to(anchors.T[None], (b, 4, _TOTAL))
    d_row = jnp.take_along_axis(deltas_t, idx_p, axis=2)
    a_row = jnp.take_along_axis(anchors_t, idx_p, axis=2)
    ssc_p = jnp.pad(ssc, ((0, 0), (0, pad)))
    s_row = ssc_p[:, None, :]

    outb, outs = pl.pallas_call(
        _nms_kernel,
        grid=(b,),
        in_specs=[pl.BlockSpec((1, 4, _N), lambda i: (i, 0, 0)),
                  pl.BlockSpec((1, 4, _N), lambda i: (i, 0, 0)),
                  pl.BlockSpec((1, 1, _N), lambda i: (i, 0, 0))],
        out_specs=[pl.BlockSpec((1, 4, _R), lambda i: (i, 0, 0)),
                   pl.BlockSpec((1, 1, _R), lambda i: (i, 0, 0))],
        out_shape=[jax.ShapeDtypeStruct((b, 4, _R), jnp.float32),
                   jax.ShapeDtypeStruct((b, 1, _R), jnp.float32)],
        scratch_shapes=[pltpu.VMEM((_K, 8, _C), jnp.float32),
                        pltpu.VMEM((8, _N), jnp.float32)],
    )(d_row, a_row, s_row)

    roi_bboxes = outb[:, :, :_POST].transpose(0, 2, 1)
    roi_scores = outs[:, 0, :_POST]
    return roi_bboxes, roi_scores

# --- scband reference (transcript-rebuilt; emitter-appended) ---
"""Pipeline reference for scband-ro-ibbox-74122545594378 (READ-ONLY COPY).

The authoritative reference and input builder live on the scoring server;
editing this copy changes nothing except your own understanding.
"""

import jax, jax.numpy as jnp
import numpy as np

GRID = 50
ANCHORS_PER_LOC = 8
TOTAL_ANCHORS = GRID * GRID * ANCHORS_PER_LOC
BATCH = 8
PRE_NMS_TOPN = 6000
POST_NMS_TOPN = 1500
NMS_IOU_THRESHOLD = 0.7
VARIANCES = jnp.asarray([0.1, 0.1, 0.2, 0.2], dtype=jnp.float32)


def _generate_anchors():
    ctr = (np.arange(GRID, dtype=np.float32) + 0.5) / GRID
    cy, cx = np.meshgrid(ctr, ctr, indexing="ij")
    hs, ws = [], []
    for s in (0.1, 0.25, 0.5, 1.0):
        for r in (0.5, 2.0):
            hs.append(s * np.sqrt(r))
            ws.append(s / np.sqrt(r))
    hs = np.asarray(hs, np.float32)
    ws = np.asarray(ws, np.float32)
    cy = cy[..., None]
    cx = cx[..., None]
    boxes = np.stack([cy - hs / 2, cx - ws / 2, cy + hs / 2, cx + ws / 2], axis=-1)
    return np.clip(boxes.reshape(-1, 4), 0.0, 1.0)


def setup_inputs(seed: int = 0):
    key = jax.random.key(seed)
    k1, k2 = jax.random.split(key)
    return {
        "rpn_bbox_deltas": jax.random.normal(k1, (BATCH, GRID, GRID, ANCHORS_PER_LOC * 4), dtype=jnp.float32),
        "rpn_labels": jax.random.normal(k2, (BATCH, GRID, GRID, ANCHORS_PER_LOC), dtype=jnp.float32),
        "anchors": jnp.asarray(_generate_anchors()),
    }


def _get_bboxes_from_deltas(anchors, deltas):
    anc_w = anchors[..., 3] - anchors[..., 1]
    anc_h = anchors[..., 2] - anchors[..., 0]
    anc_cx = anchors[..., 1] + 0.5 * anc_w
    anc_cy = anchors[..., 0] + 0.5 * anc_h
    bb_w = jnp.exp(deltas[..., 3]) * anc_w
    bb_h = jnp.exp(deltas[..., 2]) * anc_h
    bb_cx = deltas[..., 1] * anc_w + anc_cx
    bb_cy = deltas[..., 0] * anc_h + anc_cy
    y1 = bb_cy - 0.5 * bb_h
    x1 = bb_cx - 0.5 * bb_w
    y2 = y1 + bb_h
    x2 = x1 + bb_w
    return jnp.stack([y1, x1, y2, x2], axis=-1)


def _nms_single(boxes, scores):
    n = boxes.shape[0]
    y1, x1, y2, x2 = boxes[:, 0], boxes[:, 1], boxes[:, 2], boxes[:, 3]
    areas = (y2 - y1) * (x2 - x1)

    def body(i, state):
        suppressed, sel = state
        masked = jnp.where(suppressed, -jnp.inf, scores)
        j = jnp.argmax(masked)
        valid = masked[j] > -jnp.inf
        iy1 = jnp.maximum(y1[j], y1)
        ix1 = jnp.maximum(x1[j], x1)
        iy2 = jnp.minimum(y2[j], y2)
        ix2 = jnp.minimum(x2[j], x2)
        inter = jnp.maximum(iy2 - iy1, 0.0) * jnp.maximum(ix2 - ix1, 0.0)
        iou = inter / (areas[j] + areas - inter + 1e-8)
        new_sup = (suppressed | (iou > NMS_IOU_THRESHOLD)).at[j].set(True)
        suppressed = jnp.where(valid, new_sup, suppressed)
        sel = sel.at[i].set(jnp.where(valid, j.astype(jnp.int32), jnp.int32(-1)))
        return suppressed, sel

    state = (jnp.zeros((n,), dtype=bool), jnp.full((POST_NMS_TOPN,), -1, dtype=jnp.int32))
    _, sel = jax.lax.fori_loop(0, POST_NMS_TOPN, body, state)
    valid = sel >= 0
    safe = jnp.where(valid, sel, 0)
    out_boxes = jnp.where(valid[:, None], jnp.clip(boxes[safe], 0.0, 1.0), 0.0)
    out_scores = jnp.where(valid, scores[safe], 0.0)
    return out_boxes, out_scores


def _forward(rpn_bbox_deltas, rpn_labels, anchors):
    b = rpn_bbox_deltas.shape[0]
    deltas = rpn_bbox_deltas.reshape(b, TOTAL_ANCHORS, 4) * VARIANCES
    labels = jax.nn.softmax(rpn_labels, axis=-1).reshape(b, TOTAL_ANCHORS)
    rpn_bboxes = _get_bboxes_from_deltas(anchors, deltas)
    pre_scores, pre_idx = jax.lax.top_k(labels, PRE_NMS_TOPN)
    pre_boxes = jnp.take_along_axis(rpn_bboxes, pre_idx[..., None], axis=1)
    roi_bboxes, roi_scores = jax.vmap(_nms_single)(pre_boxes, pre_scores)
    return jax.lax.stop_gradient(roi_bboxes), jax.lax.stop_gradient(roi_scores)


def reference(rpn_bbox_deltas, rpn_labels, anchors):
    return _forward(rpn_bbox_deltas, rpn_labels, anchors)

if __name__ == "__main__":
    import jax
    _d = setup_inputs()
    print(jax.jit(kernel)(*tuple(_d.values())))

</pallas_src>

<mosaic_0001>
module attributes {stable_mosaic.version = 14 : i64} {
  func.func @_nms_kernel(%arg0: i32, %arg1: memref<1x4x6144xf32, #tpu.memory_space<vmem>>, %arg2: memref<1x4x6144xf32, #tpu.memory_space<vmem>>, %arg3: memref<1x1x6144xf32, #tpu.memory_space<vmem>>, %arg4: memref<1x4x1536xf32, #tpu.memory_space<vmem>>, %arg5: memref<1x1x1536xf32, #tpu.memory_space<vmem>>, %arg6: memref<12x8x512xf32, #tpu.memory_space<vmem>>, %arg7: memref<8x6144xf32, #tpu.memory_space<vmem>>) attributes {dimension_semantics = [#tpu.dimension_semantics<arbitrary>], iteration_bounds = array<i64: 8>, scalar_prefetch = 0 : i64, scratch_operands = 2 : i64, tpu.core_type = #tpu.core_type<tc>, window_params = [{transform_indices = @transform_0, window_bounds = array<i64: 1, 4, 6144>}, {transform_indices = @transform_1, window_bounds = array<i64: 1, 4, 6144>}, {transform_indices = @transform_2, window_bounds = array<i64: 1, 1, 6144>}, {transform_indices = @transform_3, window_bounds = array<i64: 1, 4, 1536>}, {transform_indices = @transform_4, window_bounds = array<i64: 1, 1, 1536>}]} {
    %get3A = arith.constant 0 : index
    %get3A_0 = arith.constant 0 : index
    %get3A_1 = arith.constant 0 : index
    %get3A_2 = vector.load %arg1[%get3A, %get3A_0, %get3A_1] : memref<1x4x6144xf32, #tpu.memory_space<vmem>>, vector<1x4x6144xf32>
    %get3A_3 = vector.shape_cast %get3A_2 : vector<1x4x6144xf32> to vector<4x6144xf32>
    %get3A_4 = arith.constant 0 : index
    %get3A_5 = arith.constant 0 : index
    %get3A_6 = arith.constant 0 : index
    %get3A_7 = vector.load %arg2[%get3A_4, %get3A_5, %get3A_6] : memref<1x4x6144xf32, #tpu.memory_space<vmem>>, vector<1x4x6144xf32>
    %get3A_8 = vector.shape_cast %get3A_7 : vector<1x4x6144xf32> to vector<4x6144xf32>
    %get3A_9 = arith.constant 0 : index
    %get3A_10 = arith.constant 0 : index
    %get3A_11 = arith.constant 0 : index
    %get3A_12 = vector.load %arg3[%get3A_9, %get3A_10, %get3A_11] : memref<1x1x6144xf32, #tpu.memory_space<vmem>>, vector<1x1x6144xf32>
    %get3A_13 = vector.shape_cast %get3A_12 : vector<1x1x6144xf32> to vector<1x6144xf32>
    %slice3A = vector.extract_strided_slice %get3A_8 {offsets = [0, 0], sizes = [1, 6144], strides = [1, 1]} : vector<4x6144xf32> to vector<1x6144xf32>
    %slice3A_14 = vector.extract_strided_slice %get3A_8 {offsets = [1, 0], sizes = [1, 6144], strides = [1, 1]} : vector<4x6144xf32> to vector<1x6144xf32>
    %slice3A_15 = vector.extract_strided_slice %get3A_8 {offsets = [2, 0], sizes = [1, 6144], strides = [1, 1]} : vector<4x6144xf32> to vector<1x6144xf32>
    %slice3A_16 = vector.extract_strided_slice %get3A_8 {offsets = [3, 0], sizes = [1, 6144], strides = [1, 1]} : vector<4x6144xf32> to vector<1x6144xf32>
    %sub3A = arith.subf %slice3A_16, %slice3A_14 : vector<1x6144xf32>
    %sub3A_17 = arith.subf %slice3A_15, %slice3A : vector<1x6144xf32>
    %mul3A = arith.constant 5.000000e-01 : f32
    %mul3A_18 = vector.broadcast %mul3A : f32 to vector<1x6144xf32>
    %mul3A_19 = arith.mulf %mul3A_18, %sub3A : vector<1x6144xf32>
    %add3A = arith.addf %slice3A_14, %mul3A_19 : vector<1x6144xf32>
    %mul3A_20 = arith.constant 5.000000e-01 : f32
    %mul3A_21 = vector.broadcast %mul3A_20 : f32 to vector<1x6144xf32>
    %mul3A_22 = arith.mulf %mul3A_21, %sub3A_17 : vector<1x6144xf32>
    %add3A_23 = arith.addf %slice3A, %mul3A_22 : vector<1x6144xf32>
    %slice3A_24 = vector.extract_strided_slice %get3A_3 {offsets = [0, 0], sizes = [1, 6144], strides = [1, 1]} : vector<4x6144xf32> to vector<1x6144xf32>
    %mul3A_25 = arith.constant 1.000000e-01 : f32
    %mul3A_26 = vector.broadcast %mul3A_25 : f32 to vector<1x6144xf32>
    %mul3A_27 = arith.mulf %slice3A_24, %mul3A_26 : vector<1x6144xf32>
    %slice3A_28 = vector.extract_strided_slice %get3A_3 {offsets = [1, 0], sizes = [1, 6144], strides = [1, 1]} : vector<4x6144xf32> to vector<1x6144xf32>
    %mul3A_29 = arith.constant 1.000000e-01 : f32
    %mul3A_30 = vector.broadcast %mul3A_29 : f32 to vector<1x6144xf32>
    %mul3A_31 = arith.mulf %slice3A_28, %mul3A_30 : vector<1x6144xf32>
    %slice3A_32 = vector.extract_strided_slice %get3A_3 {offsets = [2, 0], sizes = [1, 6144], strides = [1, 1]} : vector<4x6144xf32> to vector<1x6144xf32>
    %mul3A_33 = arith.constant 2.000000e-01 : f32
    %mul3A_34 = vector.broadcast %mul3A_33 : f32 to vector<1x6144xf32>
    %mul3A_35 = arith.mulf %slice3A_32, %mul3A_34 : vector<1x6144xf32>
    %slice3A_36 = vector.extract_strided_slice %get3A_3 {offsets = [3, 0], sizes = [1, 6144], strides = [1, 1]} : vector<4x6144xf32> to vector<1x6144xf32>
    %mul3A_37 = arith.constant 2.000000e-01 : f32
    %mul3A_38 = vector.broadcast %mul3A_37 : f32 to vector<1x6144xf32>
    %mul3A_39 = arith.mulf %slice3A_36, %mul3A_38 : vector<1x6144xf32>
    %exp3A = math.exp %mul3A_39 : vector<1x6144xf32>
    %mul3A_40 = arith.mulf %exp3A, %sub3A : vector<1x6144xf32>
    %exp3A_41 = math.exp %mul3A_35 : vector<1x6144xf32>
    %mul3A_42 = arith.mulf %exp3A_41, %sub3A_17 : vector<1x6144xf32>
    %mul3A_43 = arith.mulf %mul3A_31, %sub3A : vector<1x6144xf32>
    %add3A_44 = arith.addf %mul3A_43, %add3A : vector<1x6144xf32>
    %mul3A_45 = arith.mulf %mul3A_27, %sub3A_17 : vector<1x6144xf32>
    %add3A_46 = arith.addf %mul3A_45, %add3A_23 : vector<1x6144xf32>
    %mul3A_47 = arith.constant 5.000000e-01 : f32
    %mul3A_48 = vector.broadcast %mul3A_47 : f32 to vector<1x6144xf32>
    %mul3A_49 = arith.mulf %mul3A_48, %mul3A_42 : vector<1x6144xf32>
    %sub3A_50 = arith.subf %add3A_46, %mul3A_49 : vector<1x6144xf32>
    %mul3A_51 = arith.constant 5.000000e-01 : f32
    %mul3A_52 = vector.broadcast %mul3A_51 : f32 to vector<1x6144xf32>
    %mul3A_53 = arith.mulf %mul3A_52, %mul3A_40 : vector<1x6144xf32>
    %sub3A_54 = arith.subf %add3A_44, %mul3A_53 : vector<1x6144xf32>
    %add3A_55 = arith.addf %sub3A_50, %mul3A_42 : vector<1x6144xf32>
    %add3A_56 = arith.addf %sub3A_54, %mul3A_40 : vector<1x6144xf32>
    %sub3A_57 = arith.subf %add3A_55, %sub3A_50 : vector<1x6144xf32>
    %sub3A_58 = arith.subf %add3A_56, %sub3A_54 : vector<1x6144xf32>
    %mul3A_59 = arith.mulf %sub3A_57, %sub3A_58 : vector<1x6144xf32>
    %swap3A = arith.constant 0 : index
    %swap3A_60 = arith.constant 0 : index
    %swap3A_61 = vector.load %arg7[%swap3A, %swap3A_60] : memref<8x6144xf32, #tpu.memory_space<vmem>>, vector<1x6144xf32>
    tpu.vector_store %arg7[%swap3A, %swap3A_60], %sub3A_50 {strides = array<i32>} : memref<8x6144xf32, #tpu.memory_space<vmem>>, vector<1x6144xf32>,
    %swap3A_62 = arith.constant 1 : index
    %swap3A_63 = arith.constant 0 : index
    %swap3A_64 = vector.load %arg7[%swap3A_62, %swap3A_63] : memref<8x6144xf32, #tpu.memory_space<vmem>>, vector<1x6144xf32>
    tpu.vector_store %arg7[%swap3A_62, %swap3A_63], %sub3A_54 {strides = array<i32>} : memref<8x6144xf32, #tpu.memory_space<vmem>>, vector<1x6144xf32>,
    %swap3A_65 = arith.constant 2 : index
    %swap3A_66 = arith.constant 0 : index
    %swap3A_67 = vector.load %arg7[%swap3A_65, %swap3A_66] : memref<8x6144xf32, #tpu.memory_space<vmem>>, vector<1x6144xf32>
    tpu.vector_store %arg7[%swap3A_65, %swap3A_66], %add3A_55 {strides = array<i32>} : memref<8x6144xf32, #tpu.memory_space<vmem>>, vector<1x6144xf32>,
    %swap3A_68 = arith.constant 3 : index
    %swap3A_69 = arith.constant 0 : index
    %swap3A_70 = vector.load %arg7[%swap3A_68, %swap3A_69] : memref<8x6144xf32, #tpu.memory_space<vmem>>, vector<1x6144xf32>
    tpu.vector_store %arg7[%swap3A_68, %swap3A_69], %add3A_56 {strides = array<i32>} : memref<8x6144xf32, #tpu.memory_space<vmem>>, vector<1x6144xf32>,
    %swap3A_71 = arith.constant 4 : index
    %swap3A_72 = arith.constant 0 : index
    %swap3A_73 = vector.load %arg7[%swap3A_71, %swap3A_72] : memref<8x6144xf32, #tpu.memory_space<vmem>>, vector<1x6144xf32>
    tpu.vector_store %arg7[%swap3A_71, %swap3A_72], %mul3A_59 {strides = array<i32>} : memref<8x6144xf32, #tpu.memory_space<vmem>>, vector<1x6144xf32>,
    %swap3A_74 = arith.constant 5 : index
    %swap3A_75 = arith.constant 0 : index
    %swap3A_76 = vector.load %arg7[%swap3A_74, %swap3A_75] : memref<8x6144xf32, #tpu.memory_space<vmem>>, vector<1x6144xf32>
    tpu.vector_store %arg7[%swap3A_74, %swap3A_75], %get3A_13 {strides = array<i32>} : memref<8x6144xf32, #tpu.memory_space<vmem>>, vector<1x6144xf32>,
    %broadcast_in_dim3A = arith.constant 0.000000e+00 : f32
    %broadcast_in_dim3A_77 = vector.broadcast %broadcast_in_dim3A : f32 to vector<1x4x1536xf32>
    %swap3A_78 = arith.constant 0 : index
    %swap3A_79 = arith.constant 0 : index
    %swap3A_80 = arith.constant 0 : index
    %swap3A_81 = vector.load %arg4[%swap3A_78, %swap3A_79, %swap3A_80] : memref<1x4x1536xf32, #tpu.memory_space<vmem>>, vector<1x4x1536xf32>
    tpu.vector_store %arg4[%swap3A_78, %swap3A_79, %swap3A_80], %broadcast_in_dim3A_77 {strides = array<i32>} : memref<1x4x1536xf32, #tpu.memory_space<vmem>>, vector<1x4x1536xf32>,
    %broadcast_in_dim3A_82 = arith.constant 0.000000e+00 : f32
    %broadcast_in_dim3A_83 = vector.broadcast %broadcast_in_dim3A_82 : f32 to vector<1x1x1536xf32>
    %swap3A_84 = arith.constant 0 : index
    %swap3A_85 = arith.constant 0 : index
    %swap3A_86 = arith.constant 0 : index
    %swap3A_87 = vector.load %arg5[%swap3A_84, %swap3A_85, %swap3A_86] : memref<1x1x1536xf32, #tpu.memory_space<vmem>>, vector<1x1x1536xf32>
    tpu.vector_store %arg5[%swap3A_84, %swap3A_85, %swap3A_86], %broadcast_in_dim3A_83 {strides = array<i32>} : memref<1x1x1536xf32, #tpu.memory_space<vmem>>, vector<1x1x1536xf32>,
    %iota3A = tpu.iota {dimensions = array<i32: 0>} : vector<512x512xi32>
    %iota3A_88 = tpu.iota {dimensions = array<i32: 1>} : vector<512x512xi32>
    %eq3A = arith.cmpi eq, %iota3A, %iota3A_88 : vector<512x512xi32>
    %jit3A = arith.constant 1.000000e+00 : f32
    %jit3A_89 = arith.constant 0.000000e+00 : f32
    %broadcast_in_dim3A_90 = vector.broadcast %jit3A : f32 to vector<512x512xf32>
    %broadcast_in_dim3A_91 = vector.broadcast %jit3A_89 : f32 to vector<512x512xf32>
    %select_n3A = arith.select %eq3A, %broadcast_in_dim3A_90, %broadcast_in_dim3A_91 : vector<512x512xi1>, vector<512x512xf32>
    %lt3A = arith.cmpi slt, %iota3A_88, %iota3A : vector<512x512xi32>
    %jit3A_92 = arith.constant 1.000000e+00 : f32
    %jit3A_93 = arith.constant 0.000000e+00 : f32
    %broadcast_in_dim3A_94 = vector.broadcast %jit3A_92 : f32 to vector<512x512xf32>
    %broadcast_in_dim3A_95 = vector.broadcast %jit3A_93 : f32 to vector<512x512xf32>
    %select_n3A_96 = arith.select %lt3A, %broadcast_in_dim3A_94, %broadcast_in_dim3A_95 : vector<512x512xi1>, vector<512x512xf32>
    %le3A = arith.cmpi sle, %iota3A, %iota3A_88 : vector<512x512xi32>
    %jit3A_97 = arith.constant 1.000000e+00 : f32
    %jit3A_98 = arith.constant 0.000000e+00 : f32
    %broadcast_in_dim3A_99 = vector.broadcast %jit3A_97 : f32 to vector<512x512xf32>
    %broadcast_in_dim3A_100 = vector.broadcast %jit3A_98 : f32 to vector<512x512xf32>
    %select_n3A_101 = arith.select %le3A, %broadcast_in_dim3A_99, %broadcast_in_dim3A_100 : vector<512x512xi1>, vector<512x512xf32>
    %iota3A_102 = tpu.iota {dimensions = array<i32: 1>} : vector<1x1536xi32>
    %while3A = arith.constant 0 : i32
    %while3A_103 = arith.constant 0.000000e+00 : f32
    %while3A_104:2 = scf.while (%while3A_105 = %while3A, %while3A_106 = %while3A_103) : (i32, f32) -> (i32, f32) {
      %lt3A_107 = arith.constant 12 : i32
      %lt3A_108 = arith.cmpi slt, %while3A_105, %lt3A_107 : i32
      %lt3A_109 = arith.constant 1.500000e+03 : f32
      %lt3A_110 = arith.cmpf olt, %while3A_106, %lt3A_109 : f32
      %and3A = arith.andi %lt3A_108, %lt3A_110 : i1
      scf.condition(%and3A) %while3A_105, %while3A_106 : i32, f32
    } do {
    ^bb0(%while3A_105: i32, %while3A_106: f32):
      %add3A_107 = arith.constant 1 : i32
      %add3A_108 = arith.addi %while3A_105, %add3A_107 : i32
      %mul3A_109 = arith.constant 512 : i32
      %mul3A_110 = arith.muli %while3A_105, %mul3A_109 : i32
      %get3A_111 = arith.constant 0 : index
      %get3A_112 = arith.index_cast %mul3A_110 : i32 to index
      %get3A_113 = vector.load %arg7[%get3A_111, %get3A_112] : memref<8x6144xf32, #tpu.memory_space<vmem>>, vector<1x512xf32>
      %mul3A_114 = arith.constant 512 : i32
      %mul3A_115 = arith.muli %while3A_105, %mul3A_114 : i32
      %get3A_116 = arith.constant 1 : index
      %get3A_117 = arith.index_cast %mul3A_115 : i32 to index
      %get3A_118 = vector.load %arg7[%get3A_116, %get3A_117] : memref<8x6144xf32, #tpu.memory_space<vmem>>, vector<1x512xf32>
      %mul3A_119 = arith.constant 512 : i32
      %mul3A_120 = arith.muli %while3A_105, %mul3A_119 : i32
      %get3A_121 = arith.constant 2 : index
      %get3A_122 = arith.index_cast %mul3A_120 : i32 to index
      %get3A_123 = vector.load %arg7[%get3A_121, %get3A_122] : memref<8x6144xf32, #tpu.memory_space<vmem>>, vector<1x512xf32>
      %mul3A_124 = arith.constant 512 : i32
      %mul3A_125 = arith.muli %while3A_105, %mul3A_124 : i32
      %get3A_126 = arith.constant 3 : index
      %get3A_127 = arith.index_cast %mul3A_125 : i32 to index
      %get3A_128 = vector.load %arg7[%get3A_126, %get3A_127] : memref<8x6144xf32, #tpu.memory_space<vmem>>, vector<1x512xf32>
      %mul3A_129 = arith.constant 512 : i32
      %mul3A_130 = arith.muli %while3A_105, %mul3A_129 : i32
      %get3A_131 = arith.constant 4 : index
      %get3A_132 = arith.index_cast %mul3A_130 : i32 to index
      %get3A_133 = vector.load %arg7[%get3A_131, %get3A_132] : memref<8x6144xf32, #tpu.memory_space<vmem>>, vector<1x512xf32>
      %mul3A_134 = arith.constant 512 : i32
      %mul3A_135 = arith.muli %while3A_105, %mul3A_134 : i32
      %get3A_136 = arith.constant 5 : index
      %get3A_137 = arith.index_cast %mul3A_135 : i32 to index
      %get3A_138 = vector.load %arg7[%get3A_136, %get3A_137] : memref<8x6144xf32, #tpu.memory_space<vmem>>, vector<1x512xf32>
      %mul3A_139 = vector.broadcast %get3A_113 : vector<1x512xf32> to vector<512x512xf32>
      %mul3A_140 = arith.mulf %select_n3A, %mul3A_139 : vector<512x512xf32>
      %reduce_sum3A = arith.constant dense<0.000000e+00> : vector<512xf32>
      %reduce_sum3A_141 = vector.multi_reduction <add>, %mul3A_140, %reduce_sum3A [1] : vector<512x512xf32> to vector<512xf32>
      %broadcast_in_dim3A_142 = vector.shape_cast %reduce_sum3A_141 : vector<512xf32> to vector<512x1xf32>
      %mul3A_143 = vector.broadcast %get3A_118 : vector<1x512xf32> to vector<512x512xf32>
      %mul3A_144 = arith.mulf %select_n3A, %mul3A_143 : vector<512x512xf32>
      %reduce_sum3A_145 = arith.constant dense<0.000000e+00> : vector<512xf32>
      %reduce_sum3A_146 = vector.multi_reduction <add>, %mul3A_144, %reduce_sum3A_145 [1] : vector<512x512xf32> to vector<512xf32>
      %broadcast_in_dim3A_147 = vector.shape_cast %reduce_sum3A_146 : vector<512xf32> to vector<512x1xf32>
      %mul3A_148 = vector.broadcast %get3A_123 : vector<1x512xf32> to vector<512x512xf32>
      %mul3A_149 = arith.mulf %select_n3A, %mul3A_148 : vector<512x512xf32>
      %reduce_sum3A_150 = arith.constant dense<0.000000e+00> : vector<512xf32>
      %reduce_sum3A_151 = vector.multi_reduction <add>, %mul3A_149, %reduce_sum3A_150 [1] : vector<512x512xf32> to vector<512xf32>
      %broadcast_in_dim3A_152 = vector.shape_cast %reduce_sum3A_151 : vector<512xf32> to vector<512x1xf32>
      %mul3A_153 = vector.broadcast %get3A_128 : vector<1x512xf32> to vector<512x512xf32>
      %mul3A_154 = arith.mulf %select_n3A, %mul3A_153 : vector<512x512xf32>
      %reduce_sum3A_155 = arith.constant dense<0.000000e+00> : vector<512xf32>
      %reduce_sum3A_156 = vector.multi_reduction <add>, %mul3A_154, %reduce_sum3A_155 [1] : vector<512x512xf32> to vector<512xf32>
      %broadcast_in_dim3A_157 = vector.shape_cast %reduce_sum3A_156 : vector<512xf32> to vector<512x1xf32>
      %mul3A_158 = vector.broadcast %get3A_133 : vector<1x512xf32> to vector<512x512xf32>
      %mul3A_159 = arith.mulf %select_n3A, %mul3A_158 : vector<512x512xf32>
      %reduce_sum3A_160 = arith.constant dense<0.000000e+00> : vector<512xf32>
      %reduce_sum3A_161 = vector.multi_reduction <add>, %mul3A_159, %reduce_sum3A_160 [1] : vector<512x512xf32> to vector<512xf32>
      %broadcast_in_dim3A_162 = vector.shape_cast %reduce_sum3A_161 : vector<512xf32> to vector<512x1xf32>
      %mul3A_163 = vector.broadcast %get3A_138 : vector<1x512xf32> to vector<512x512xf32>
      %mul3A_164 = arith.mulf %select_n3A, %mul3A_163 : vector<512x512xf32>
      %reduce_sum3A_165 = arith.constant dense<0.000000e+00> : vector<512xf32>
      %reduce_sum3A_166 = vector.multi_reduction <add>, %mul3A_164, %reduce_sum3A_165 [1] : vector<512x512xf32> to vector<512xf32>
      %broadcast_in_dim3A_167 = vector.shape_cast %reduce_sum3A_166 : vector<512xf32> to vector<512x1xf32>
      %mul3A_168 = arith.constant 512 : i32
      %mul3A_169 = arith.muli %while3A_105, %mul3A_168 : i32
      %iota3A_170 = tpu.iota {dimensions = array<i32: 0>} : vector<512x1xi32>
      %add3A_171 = vector.broadcast %mul3A_169 : i32 to vector<512x1xi32>
      %add3A_172 = arith.addi %add3A_171, %iota3A_170 : vector<512x1xi32>
      %lt3A_173 = arith.constant 6000 : i32
      %lt3A_174 = vector.broadcast %lt3A_173 : i32 to vector<512x1xi32>
      %lt3A_175 = arith.cmpi slt, %add3A_172, %lt3A_174 : vector<512x1xi32>
      %jit3A_176 = arith.constant 1.000000e+00 : f32
      %jit3A_177 = arith.constant 0.000000e+00 : f32
      %broadcast_in_dim3A_178 = vector.broadcast %jit3A_176 : f32 to vector<512x1xf32>
      %broadcast_in_dim3A_179 = vector.broadcast %jit3A_177 : f32 to vector<512x1xf32>
      %select_n3A_180 = arith.select %lt3A_175, %broadcast_in_dim3A_178, %broadcast_in_dim3A_179 : vector<512x1xi1>, vector<512x1xf32>
      %broadcast_in_dim3A_181 = arith.constant 0.000000e+00 : f32
      %broadcast_in_dim3A_182 = vector.broadcast %broadcast_in_dim3A_181 : f32 to vector<512x1xf32>
      %while3A_183 = arith.constant 0 : i32
      %while3A_184 = arith.subi %while3A_105, %while3A_183 : i32
      %while3A_185 = arith.addi %while3A_183, %while3A_184 : i32
      %while3A_186 = arith.constant 1 : i32
      %while3A_187 = arith.divsi %while3A_184, %while3A_186 : i32
      %while3A_188 = arith.muli %while3A_187, %while3A_186 : i32
      %while3A_189 = arith.addi %while3A_183, %while3A_188 : i32
      %while3A_190 = arith.constant 1 : i32
      %while3A_191 = scf.for %while3A_386 = %while3A_183 to %while3A_189 step %while3A_190 iter_args(%while3A_387 = %broadcast_in_dim3A_182) -> (vector<512x1xf32>)  : i32 {
        %mul3A_388 = arith.constant 512 : i32
        %mul3A_389 = arith.muli %while3A_386, %mul3A_388 : i32
        %get3A_390 = arith.constant 0 : index
        %get3A_391 = arith.index_cast %mul3A_389 : i32 to index
        %get3A_392 = vector.load %arg7[%get3A_390, %get3A_391] : memref<8x6144xf32, #tpu.memory_space<vmem>>, vector<1x512xf32>
        %mul3A_393 = arith.constant 512 : i32
        %mul3A_394 = arith.muli %while3A_386, %mul3A_393 : i32
        %get3A_395 = arith.constant 1 : index
        %get3A_396 = arith.index_cast %mul3A_394 : i32 to index
        %get3A_397 = vector.load %arg7[%get3A_395, %get3A_396] : memref<8x6144xf32, #tpu.memory_space<vmem>>, vector<1x512xf32>
        %mul3A_398 = arith.constant 512 : i32
        %mul3A_399 = arith.muli %while3A_386, %mul3A_398 : i32
        %get3A_400 = arith.constant 2 : index
        %get3A_401 = arith.index_cast %mul3A_399 : i32 to index
        %get3A_402 = vector.load %arg7[%get3A_400, %get3A_401] : memref<8x6144xf32, #tpu.memory_space<vmem>>, vector<1x512xf32>
        %mul3A_403 = arith.constant 512 : i32
        %mul3A_404 = arith.muli %while3A_386, %mul3A_403 : i32
        %get3A_405 = arith.constant 3 : index
        %get3A_406 = arith.index_cast %mul3A_404 : i32 to index
        %get3A_407 = vector.load %arg7[%get3A_405, %get3A_406] : memref<8x6144xf32, #tpu.memory_space<vmem>>, vector<1x512xf32>
        %mul3A_408 = arith.constant 512 : i32
        %mul3A_409 = arith.muli %while3A_386, %mul3A_408 : i32
        %get3A_410 = arith.constant 4 : index
        %get3A_411 = arith.index_cast %mul3A_409 : i32 to index
        %get3A_412 = vector.load %arg7[%get3A_410, %get3A_411] : memref<8x6144xf32, #tpu.memory_space<vmem>>, vector<1x512xf32>
        %get3A_413 = arith.index_cast %while3A_386 : i32 to index
        %get3A_414 = arith.constant 0 : index
        %get3A_415 = arith.constant 0 : index
        %get3A_416 = vector.load %arg6[%get3A_413, %get3A_414, %get3A_415] : memref<12x8x512xf32, #tpu.memory_space<vmem>>, vector<1x1x512xf32>
        %reshape3A_417 = vector.shape_cast %get3A_416 : vector<1x1x512xf32> to vector<1x512xf32>
        %max3A_418 = vector.broadcast %get3A_392 : vector<1x512xf32> to vector<512x512xf32>
        %max3A_419 = vector.broadcast %broadcast_in_dim3A_142 : vector<512x1xf32> to vector<512x512xf32>
        %max3A_420 = arith.maximumf %max3A_418, %max3A_419 : vector<512x512xf32>
        %max3A_421 = vector.broadcast %get3A_397 : vector<1x512xf32> to vector<512x512xf32>
        %max3A_422 = vector.broadcast %broadcast_in_dim3A_147 : vector<512x1xf32> to vector<512x512xf32>
        %max3A_423 = arith.maximumf %max3A_421, %max3A_422 : vector<512x512xf32>
        %min3A_424 = vector.broadcast %get3A_402 : vector<1x512xf32> to vector<512x512xf32>
        %min3A_425 = vector.broadcast %broadcast_in_dim3A_152 : vector<512x1xf32> to vector<512x512xf32>
        %min3A_426 = arith.minimumf %min3A_424, %min3A_425 : vector<512x512xf32>
        %min3A_427 = vector.broadcast %get3A_407 : vector<1x512xf32> to vector<512x512xf32>
        %min3A_428 = vector.broadcast %broadcast_in_dim3A_157 : vector<512x1xf32> to vector<512x512xf32>
        %min3A_429 = arith.minimumf %min3A_427, %min3A_428 : vector<512x512xf32>
        %sub3A_430 = arith.subf %min3A_426, %max3A_420 : vector<512x512xf32>
        %max3A_431 = arith.constant 0.000000e+00 : f32
        %max3A_432 = vector.broadcast %max3A_431 : f32 to vector<512x512xf32>
        %max3A_433 = arith.maximumf %sub3A_430, %max3A_432 : vector<512x512xf32>
        %sub3A_434 = arith.subf %min3A_429, %max3A_423 : vector<512x512xf32>
        %max3A_435 = arith.constant 0.000000e+00 : f32
        %max3A_436 = vector.broadcast %max3A_435 : f32 to vector<512x512xf32>
        %max3A_437 = arith.maximumf %sub3A_434, %max3A_436 : vector<512x512xf32>
        %mul3A_438 = arith.mulf %max3A_433, %max3A_437 : vector<512x512xf32>
        %add3A_439 = vector.broadcast %get3A_412 : vector<1x512xf32> to vector<512x512xf32>
        %add3A_440 = vector.broadcast %broadcast_in_dim3A_162 : vector<512x1xf32> to vector<512x512xf32>
        %add3A_441 = arith.addf %add3A_439, %add3A_440 : vector<512x512xf32>
        %sub3A_442 = arith.subf %add3A_441, %mul3A_438 : vector<512x512xf32>
        %add3A_443 = arith.constant 9.99999993E-9 : f32
        %add3A_444 = vector.broadcast %add3A_443 : f32 to vector<512x512xf32>
        %add3A_445 = arith.addf %sub3A_442, %add3A_444 : vector<512x512xf32>
        %div3A_446 = arith.divf %mul3A_438, %add3A_445 : vector<512x512xf32>
        %gt3A_447 = arith.constant 0.699999988 : f32
        %gt3A_448 = vector.broadcast %gt3A_447 : f32 to vector<512x512xf32>
        %gt3A_449 = arith.cmpf ogt, %div3A_446, %gt3A_448 : vector<512x512xf32>
        %jit3A_450 = arith.constant 1.000000e+00 : f32
        %jit3A_451 = arith.constant 0.000000e+00 : f32
        %broadcast_in_dim3A_452 = vector.broadcast %jit3A_450 : f32 to vector<512x512xf32>
        %broadcast_in_dim3A_453 = vector.broadcast %jit3A_451 : f32 to vector<512x512xf32>
        %select_n3A_454 = arith.select %gt3A_449, %broadcast_in_dim3A_452, %broadcast_in_dim3A_453 : vector<512x512xi1>, vector<512x512xf32>
        %mul3A_455 = vector.broadcast %reshape3A_417 : vector<1x512xf32> to vector<512x512xf32>
        %mul3A_456 = arith.mulf %select_n3A_454, %mul3A_455 : vector<512x512xf32>
        %reduce_max3A_457 = arith.constant dense<0xFF800000> : vector<512xf32>
        %reduce_max3A_458 = vector.multi_reduction <maximumf>, %mul3A_456, %reduce_max3A_457 [1] : vector<512x512xf32> to vector<512xf32>
        %broadcast_in_dim3A_459 = vector.shape_cast %reduce_max3A_458 : vector<512xf32> to vector<512x1xf32>
        %max3A_460 = arith.maximumf %while3A_387, %broadcast_in_dim3A_459 : vector<512x1xf32>
        scf.yield %max3A_460 : vector<512x1xf32>
      }
      %while3A_192 = arith.constant 1 : i32
      %while3A_193 = scf.for %while3A_386 = %while3A_189 to %while3A_185 step %while3A_192 iter_args(%while3A_387 = %while3A_191) -> (vector<512x1xf32>)  : i32 {
        %mul3A_388 = arith.constant 512 : i32
        %mul3A_389 = arith.muli %while3A_386, %mul3A_388 : i32
        %get3A_390 = arith.constant 0 : index
        %get3A_391 = arith.index_cast %mul3A_389 : i32 to index
        %get3A_392 = vector.load %arg7[%get3A_390, %get3A_391] : memref<8x6144xf32, #tpu.memory_space<vmem>>, vector<1x512xf32>
        %mul3A_393 = arith.constant 512 : i32
        %mul3A_394 = arith.muli %while3A_386, %mul3A_393 : i32
        %get3A_395 = arith.constant 1 : index
        %get3A_396 = arith.index_cast %mul3A_394 : i32 to index
        %get3A_397 = vector.load %arg7[%get3A_395, %get3A_396] : memref<8x6144xf32, #tpu.memory_space<vmem>>, vector<1x512xf32>
        %mul3A_398 = arith.constant 512 : i32
        %mul3A_399 = arith.muli %while3A_386, %mul3A_398 : i32
        %get3A_400 = arith.constant 2 : index
        %get3A_401 = arith.index_cast %mul3A_399 : i32 to index
        %get3A_402 = vector.load %arg7[%get3A_400, %get3A_401] : memref<8x6144xf32, #tpu.memory_space<vmem>>, vector<1x512xf32>
        %mul3A_403 = arith.constant 512 : i32
        %mul3A_404 = arith.muli %while3A_386, %mul3A_403 : i32
        %get3A_405 = arith.constant 3 : index
        %get3A_406 = arith.index_cast %mul3A_404 : i32 to index
        %get3A_407 = vector.load %arg7[%get3A_405, %get3A_406] : memref<8x6144xf32, #tpu.memory_space<vmem>>, vector<1x512xf32>
        %mul3A_408 = arith.constant 512 : i32
        %mul3A_409 = arith.muli %while3A_386, %mul3A_408 : i32
        %get3A_410 = arith.constant 4 : index
        %get3A_411 = arith.index_cast %mul3A_409 : i32 to index
        %get3A_412 = vector.load %arg7[%get3A_410, %get3A_411] : memref<8x6144xf32, #tpu.memory_space<vmem>>, vector<1x512xf32>
        %get3A_413 = arith.index_cast %while3A_386 : i32 to index
        %get3A_414 = arith.constant 0 : index
        %get3A_415 = arith.constant 0 : index
        %get3A_416 = vector.load %arg6[%get3A_413, %get3A_414, %get3A_415] : memref<12x8x512xf32, #tpu.memory_space<vmem>>, vector<1x1x512xf32>
        %reshape3A_417 = vector.shape_cast %get3A_416 : vector<1x1x512xf32> to vector<1x512xf32>
        %max3A_418 = vector.broadcast %get3A_392 : vector<1x512xf32> to vector<512x512xf32>
        %max3A_419 = vector.broadcast %broadcast_in_dim3A_142 : vector<512x1xf32> to vector<512x512xf32>
        %max3A_420 = arith.maximumf %max3A_418, %max3A_419 : vector<512x512xf32>
        %max3A_421 = vector.broadcast %get3A_397 : vector<1x512xf32> to vector<512x512xf32>
        %max3A_422 = vector.broadcast %broadcast_in_dim3A_147 : vector<512x1xf32> to vector<512x512xf32>
        %max3A_423 = arith.maximumf %max3A_421, %max3A_422 : vector<512x512xf32>
        %min3A_424 = vector.broadcast %get3A_402 : vector<1x512xf32> to vector<512x512xf32>
        %min3A_425 = vector.broadcast %broadcast_in_dim3A_152 : vector<512x1xf32> to vector<512x512xf32>
        %min3A_426 = arith.minimumf %min3A_424, %min3A_425 : vector<512x512xf32>
        %min3A_427 = vector.broadcast %get3A_407 : vector<1x512xf32> to vector<512x512xf32>
        %min3A_428 = vector.broadcast %broadcast_in_dim3A_157 : vector<512x1xf32> to vector<512x512xf32>
        %min3A_429 = arith.minimumf %min3A_427, %min3A_428 : vector<512x512xf32>
        %sub3A_430 = arith.subf %min3A_426, %max3A_420 : vector<512x512xf32>
        %max3A_431 = arith.constant 0.000000e+00 : f32
        %max3A_432 = vector.broadcast %max3A_431 : f32 to vector<512x512xf32>
        %max3A_433 = arith.maximumf %sub3A_430, %max3A_432 : vector<512x512xf32>
        %sub3A_434 = arith.subf %min3A_429, %max3A_423 : vector<512x512xf32>
        %max3A_435 = arith.constant 0.000000e+00 : f32
        %max3A_436 = vector.broadcast %max3A_435 : f32 to vector<512x512xf32>
        %max3A_437 = arith.maximumf %sub3A_434, %max3A_436 : vector<512x512xf32>
        %mul3A_438 = arith.mulf %max3A_433, %max3A_437 : vector<512x512xf32>
        %add3A_439 = vector.broadcast %get3A_412 : vector<1x512xf32> to vector<512x512xf32>
        %add3A_440 = vector.broadcast %broadcast_in_dim3A_162 : vector<512x1xf32> to vector<512x512xf32>
        %add3A_441 = arith.addf %add3A_439, %add3A_440 : vector<512x512xf32>
        %sub3A_442 = arith.subf %add3A_441, %mul3A_438 : vector<512x512xf32>
        %add3A_443 = arith.constant 9.99999993E-9 : f32
        %add3A_444 = vector.broadcast %add3A_443 : f32 to vector<512x512xf32>
        %add3A_445 = arith.addf %sub3A_442, %add3A_444 : vector<512x512xf32>
        %div3A_446 = arith.divf %mul3A_438, %add3A_445 : vector<512x512xf32>
        %gt3A_447 = arith.constant 0.699999988 : f32
        %gt3A_448 = vector.broadcast %gt3A_447 : f32 to vector<512x512xf32>
        %gt3A_449 = arith.cmpf ogt, %div3A_446, %gt3A_448 : vector<512x512xf32>
        %jit3A_450 = arith.constant 1.000000e+00 : f32
        %jit3A_451 = arith.constant 0.000000e+00 : f32
        %broadcast_in_dim3A_452 = vector.broadcast %jit3A_450 : f32 to vector<512x512xf32>
        %broadcast_in_dim3A_453 = vector.broadcast %jit3A_451 : f32 to vector<512x512xf32>
        %select_n3A_454 = arith.select %gt3A_449, %broadcast_in_dim3A_452, %broadcast_in_dim3A_453 : vector<512x512xi1>, vector<512x512xf32>
        %mul3A_455 = vector.broadcast %reshape3A_417 : vector<1x512xf32> to vector<512x512xf32>
        %mul3A_456 = arith.mulf %select_n3A_454, %mul3A_455 : vector<512x512xf32>
        %reduce_max3A_457 = arith.constant dense<0xFF800000> : vector<512xf32>
        %reduce_max3A_458 = vector.multi_reduction <maximumf>, %mul3A_456, %reduce_max3A_457 [1] : vector<512x512xf32> to vector<512xf32>
        %broadcast_in_dim3A_459 = vector.shape_cast %reduce_max3A_458 : vector<512xf32> to vector<512x1xf32>
        %max3A_460 = arith.maximumf %while3A_387, %broadcast_in_dim3A_459 : vector<512x1xf32>
        scf.yield %max3A_460 : vector<512x1xf32>
      }
      %sub3A_194 = arith.constant 1.000000e+00 : f32
      %sub3A_195 = vector.broadcast %sub3A_194 : f32 to vector<512x1xf32>
      %sub3A_196 = arith.subf %sub3A_195, %while3A_193 : vector<512x1xf32>
      %mul3A_197 = arith.mulf %select_n3A_180, %sub3A_196 : vector<512x1xf32>
      %max3A = vector.broadcast %get3A_113 : vector<1x512xf32> to vector<512x512xf32>
      %max3A_198 = vector.broadcast %broadcast_in_dim3A_142 : vector<512x1xf32> to vector<512x512xf32>
      %max3A_199 = arith.maximumf %max3A, %max3A_198 : vector<512x512xf32>
      %max3A_200 = vector.broadcast %get3A_118 : vector<1x512xf32> to vector<512x512xf32>
      %max3A_201 = vector.broadcast %broadcast_in_dim3A_147 : vector<512x1xf32> to vector<512x512xf32>
      %max3A_202 = arith.maximumf %max3A_200, %max3A_201 : vector<512x512xf32>
      %min3A = vector.broadcast %get3A_123 : vector<1x512xf32> to vector<512x512xf32>
      %min3A_203 = vector.broadcast %broadcast_in_dim3A_152 : vector<512x1xf32> to vector<512x512xf32>
      %min3A_204 = arith.minimumf %min3A, %min3A_203 : vector<512x512xf32>
      %min3A_205 = vector.broadcast %get3A_128 : vector<1x512xf32> to vector<512x512xf32>
      %min3A_206 = vector.broadcast %broadcast_in_dim3A_157 : vector<512x1xf32> to vector<512x512xf32>
      %min3A_207 = arith.minimumf %min3A_205, %min3A_206 : vector<512x512xf32>
      %sub3A_208 = arith.subf %min3A_204, %max3A_199 : vector<512x512xf32>
      %max3A_209 = arith.constant 0.000000e+00 : f32
      %max3A_210 = vector.broadcast %max3A_209 : f32 to vector<512x512xf32>
      %max3A_211 = arith.maximumf %sub3A_208, %max3A_210 : vector<512x512xf32>
      %sub3A_212 = arith.subf %min3A_207, %max3A_202 : vector<512x512xf32>
      %max3A_213 = arith.constant 0.000000e+00 : f32
      %max3A_214 = vector.broadcast %max3A_213 : f32 to vector<512x512xf32>
      %max3A_215 = arith.maximumf %sub3A_212, %max3A_214 : vector<512x512xf32>
      %mul3A_216 = arith.mulf %max3A_211, %max3A_215 : vector<512x512xf32>
      %add3A_217 = vector.broadcast %get3A_133 : vector<1x512xf32> to vector<512x512xf32>
      %add3A_218 = vector.broadcast %broadcast_in_dim3A_162 : vector<512x1xf32> to vector<512x512xf32>
      %add3A_219 = arith.addf %add3A_217, %add3A_218 : vector<512x512xf32>
      %sub3A_220 = arith.subf %add3A_219, %mul3A_216 : vector<512x512xf32>
      %add3A_221 = arith.constant 9.99999993E-9 : f32
      %add3A_222 = vector.broadcast %add3A_221 : f32 to vector<512x512xf32>
      %add3A_223 = arith.addf %sub3A_220, %add3A_222 : vector<512x512xf32>
      %div3A = arith.divf %mul3A_216, %add3A_223 : vector<512x512xf32>
      %gt3A = arith.constant 0.699999988 : f32
      %gt3A_224 = vector.broadcast %gt3A : f32 to vector<512x512xf32>
      %gt3A_225 = arith.cmpf ogt, %div3A, %gt3A_224 : vector<512x512xf32>
      %jit3A_226 = arith.constant 1.000000e+00 : f32
      %jit3A_227 = arith.constant 0.000000e+00 : f32
      %broadcast_in_dim3A_228 = vector.broadcast %jit3A_226 : f32 to vector<512x512xf32>
      %broadcast_in_dim3A_229 = vector.broadcast %jit3A_227 : f32 to vector<512x512xf32>
      %select_n3A_230 = arith.select %gt3A_225, %broadcast_in_dim3A_228, %broadcast_in_dim3A_229 : vector<512x512xi1>, vector<512x512xf32>
      %mul3A_231 = arith.mulf %select_n3A_230, %select_n3A_96 : vector<512x512xf32>
      %mul3A_232 = vector.broadcast %mul3A_197 : vector<512x1xf32> to vector<512x512xf32>
      %mul3A_233 = arith.mulf %select_n3A, %mul3A_232 : vector<512x512xf32>
      %reduce_sum3A_234 = arith.constant dense<0.000000e+00> : vector<512xf32>
      %reduce_sum3A_235 = vector.multi_reduction <add>, %mul3A_233, %reduce_sum3A_234 [0] : vector<512x512xf32> to vector<512xf32>
      %broadcast_in_dim3A_236 = vector.shape_cast %reduce_sum3A_235 : vector<512xf32> to vector<1x512xf32>
      %while3A_237 = arith.constant 0 : i32
      %while3A_238 = arith.constant 1.000000e+00 : f32
      %while3A_239:3 = scf.while (%while3A_386 = %while3A_237, %while3A_387 = %while3A_238, %while3A_388 = %broadcast_in_dim3A_236) : (i32, f32, vector<1x512xf32>) -> (i32, f32, vector<1x512xf32>) {
        %gt3A_389 = arith.constant 0.000000e+00 : f32
        %gt3A_390 = arith.cmpf ogt, %while3A_387, %gt3A_389 : f32
        %lt3A_391 = arith.constant 512 : i32
        %lt3A_392 = arith.cmpi slt, %while3A_386, %lt3A_391 : i32
        %and3A = arith.andi %gt3A_390, %lt3A_392 : i1
        scf.condition(%and3A) %while3A_386, %while3A_387, %while3A_388 : i32, f32, vector<1x512xf32>
      } do {
      ^bb0(%while3A_386: i32, %while3A_387: f32, %while3A_388: vector<1x512xf32>):
        %mul3A_389 = vector.broadcast %while3A_388 : vector<1x512xf32> to vector<512x512xf32>
        %mul3A_390 = arith.mulf %mul3A_231, %mul3A_389 : vector<512x512xf32>
        %reduce_max3A_391 = arith.constant dense<0xFF800000> : vector<512xf32>
        %reduce_max3A_392 = vector.multi_reduction <maximumf>, %mul3A_390, %reduce_max3A_391 [1] : vector<512x512xf32> to vector<512xf32>
        %broadcast_in_dim3A_393 = vector.shape_cast %reduce_max3A_392 : vector<512xf32> to vector<512x1xf32>
        %sub3A_394 = arith.constant 1.000000e+00 : f32
        %sub3A_395 = vector.broadcast %sub3A_394 : f32 to vector<512x1xf32>
        %sub3A_396 = arith.subf %sub3A_395, %broadcast_in_dim3A_393 : vector<512x1xf32>
        %mul3A_397 = arith.mulf %mul3A_197, %sub3A_396 : vector<512x1xf32>
        %mul3A_398 = vector.broadcast %mul3A_397 : vector<512x1xf32> to vector<512x512xf32>
        %mul3A_399 = arith.mulf %select_n3A, %mul3A_398 : vector<512x512xf32>
        %reduce_sum3A_400 = arith.constant dense<0.000000e+00> : vector<512xf32>
        %reduce_sum3A_401 = vector.multi_reduction <add>, %mul3A_399, %reduce_sum3A_400 [0] : vector<512x512xf32> to vector<512xf32>
        %broadcast_in_dim3A_402 = vector.shape_cast %reduce_sum3A_401 : vector<512xf32> to vector<1x512xf32>
        %sub3A_403 = arith.subf %broadcast_in_dim3A_402, %while3A_388 : vector<1x512xf32>
        %abs3A = math.absf %sub3A_403 : vector<1x512xf32>
        %reduce_max3A_404 = vector.shape_cast %abs3A : vector<1x512xf32> to vector<1x1x512xf32>
        %reduce_max3A_405 = arith.constant dense<0xFF800000> : vector<1xf32>
        %reduce_max3A_406 = vector.multi_reduction <maximumf>, %reduce_max3A_404, %reduce_max3A_405 [1, 2] : vector<1x1x512xf32> to vector<1xf32>
        %reduce_max3A_407 = vector.shape_cast %reduce_max3A_406 : vector<1xf32> to vector<1x1x1xf32>
        %reduce_max3A_408 = vector.extract %reduce_max3A_407[0, 0, 0] : f32 from vector<1x1x1xf32>
        %add3A_409 = arith.constant 1 : i32
        %add3A_410 = arith.addi %while3A_386, %add3A_409 : i32
        scf.yield %add3A_410, %reduce_max3A_408, %broadcast_in_dim3A_402 : i32, f32, vector<1x512xf32>
      }
      %mul3A_240 = vector.broadcast %while3A_239#2 : vector<1x512xf32> to vector<512x512xf32>
      %mul3A_241 = arith.mulf %mul3A_231, %mul3A_240 : vector<512x512xf32>
      %reduce_max3A = arith.constant dense<0xFF800000> : vector<512xf32>
      %reduce_max3A_242 = vector.multi_reduction <maximumf>, %mul3A_241, %reduce_max3A [1] : vector<512x512xf32> to vector<512xf32>
      %broadcast_in_dim3A_243 = vector.shape_cast %reduce_max3A_242 : vector<512xf32> to vector<512x1xf32>
      %sub3A_244 = arith.constant 1.000000e+00 : f32
      %sub3A_245 = vector.broadcast %sub3A_244 : f32 to vector<512x1xf32>
      %sub3A_246 = arith.subf %sub3A_245, %broadcast_in_dim3A_243 : vector<512x1xf32>
      %mul3A_247 = arith.mulf %mul3A_197, %sub3A_246 : vector<512x1xf32>
      %reshape3A = vector.shape_cast %while3A_239#2 : vector<1x512xf32> to vector<1x1x512xf32>
      %swap3A_248 = arith.index_cast %while3A_105 : i32 to index
      %swap3A_249 = arith.constant 0 : index
      %swap3A_250 = arith.constant 0 : index
      %swap3A_251 = vector.load %arg6[%swap3A_248, %swap3A_249, %swap3A_250] : memref<12x8x512xf32, #tpu.memory_space<vmem>>, vector<1x1x512xf32>
      tpu.vector_store %arg6[%swap3A_248, %swap3A_249, %swap3A_250], %reshape3A {strides = array<i32>} : memref<12x8x512xf32, #tpu.memory_space<vmem>>, vector<1x1x512xf32>,
      %mul3A_252 = vector.broadcast %mul3A_247 : vector<512x1xf32> to vector<512x512xf32>
      %mul3A_253 = arith.mulf %select_n3A_101, %mul3A_252 : vector<512x512xf32>
      %reduce_sum3A_254 = arith.constant dense<0.000000e+00> : vector<512xf32>
      %reduce_sum3A_255 = vector.multi_reduction <add>, %mul3A_253, %reduce_sum3A_254 [0] : vector<512x512xf32> to vector<512xf32>
      %broadcast_in_dim3A_256 = vector.shape_cast %reduce_sum3A_255 : vector<512xf32> to vector<1x512xf32>
      %reduce_sum3A_257 = vector.shape_cast %mul3A_247 : vector<512x1xf32> to vector<1x512x1xf32>
      %reduce_sum3A_258 = arith.constant dense<0.000000e+00> : vector<1xf32>
      %reduce_sum3A_259 = vector.multi_reduction <add>, %reduce_sum3A_257, %reduce_sum3A_258 [1, 2] : vector<1x512x1xf32> to vector<1xf32>
      %reduce_sum3A_260 = vector.shape_cast %reduce_sum3A_259 : vector<1xf32> to vector<1x1x1xf32>
      %reduce_sum3A_261 = vector.extract %reduce_sum3A_260[0, 0, 0] : f32 from vector<1x1x1xf32>
      %gt3A_262 = arith.constant 5.000000e-01 : f32
      %gt3A_263 = vector.broadcast %gt3A_262 : f32 to vector<1x512xf32>
      %gt3A_264 = arith.cmpf ogt, %while3A_239#2, %gt3A_263 : vector<1x512xf32>
      %add3A_265 = vector.broadcast %while3A_106 : f32 to vector<1x512xf32>
      %add3A_266 = arith.addf %add3A_265, %broadcast_in_dim3A_256 : vector<1x512xf32>
      %sub3A_267 = arith.constant 1.000000e+00 : f32
      %sub3A_268 = vector.broadcast %sub3A_267 : f32 to vector<1x512xf32>
      %sub3A_269 = arith.subf %add3A_266, %sub3A_268 : vector<1x512xf32>
      %jit3A_270 = arith.constant -1.000000e+00 : f32
      %broadcast_in_dim3A_271 = vector.broadcast %jit3A_270 : f32 to vector<1x512xf32>
      %select_n3A_272 = arith.select %gt3A_264, %sub3A_269, %broadcast_in_dim3A_271 : vector<1x512xi1>, vector<1x512xf32>
      %mul3A_273 = vector.broadcast %select_n3A_272 : vector<1x512xf32> to vector<512x512xf32>
      %mul3A_274 = arith.mulf %select_n3A, %mul3A_273 : vector<512x512xf32>
      %reduce_sum3A_275 = arith.constant dense<0.000000e+00> : vector<512xf32>
      %reduce_sum3A_276 = vector.multi_reduction <add>, %mul3A_274, %reduce_sum3A_275 [1] : vector<512x512xf32> to vector<512xf32>
      %broadcast_in_dim3A_277 = vector.shape_cast %reduce_sum3A_276 : vector<512xf32> to vector<512x1xf32>
      %convert_element_type3A = arith.fptosi %broadcast_in_dim3A_277 : vector<512x1xf32> to vector<512x1xi32>
      %eq3A_278 = vector.broadcast %convert_element_type3A : vector<512x1xi32> to vector<512x1536xi32>
      %eq3A_279 = vector.broadcast %iota3A_102 : vector<1x1536xi32> to vector<512x1536xi32>
      %eq3A_280 = arith.cmpi eq, %eq3A_278, %eq3A_279 : vector<512x1536xi32>
      %jit3A_281 = arith.constant 1.000000e+00 : f32
      %jit3A_282 = arith.constant 0.000000e+00 : f32
      %broadcast_in_dim3A_283 = vector.broadcast %jit3A_281 : f32 to vector<512x1536xf32>
      %broadcast_in_dim3A_284 = vector.broadcast %jit3A_282 : f32 to vector<512x1536xf32>
      %select_n3A_285 = arith.select %eq3A_280, %broadcast_in_dim3A_283, %broadcast_in_dim3A_284 : vector<512x1536xi1>, vector<512x1536xf32>
      %jit3A_286 = arith.constant 0.000000e+00 : f32
      %jit3A_287 = arith.constant 1.000000e+00 : f32
      %max3A_288 = vector.broadcast %jit3A_286 : f32 to vector<512x1xf32>
      %max3A_289 = arith.maximumf %max3A_288, %broadcast_in_dim3A_142 : vector<512x1xf32>
      %min3A_290 = vector.broadcast %jit3A_287 : f32 to vector<512x1xf32>
      %min3A_291 = arith.minimumf %min3A_290, %max3A_289 : vector<512x1xf32>
      %jit3A_292 = arith.constant 0.000000e+00 : f32
      %jit3A_293 = arith.constant 1.000000e+00 : f32
      %max3A_294 = vector.broadcast %jit3A_292 : f32 to vector<512x1xf32>
      %max3A_295 = arith.maximumf %max3A_294, %broadcast_in_dim3A_147 : vector<512x1xf32>
      %min3A_296 = vector.broadcast %jit3A_293 : f32 to vector<512x1xf32>
      %min3A_297 = arith.minimumf %min3A_296, %max3A_295 : vector<512x1xf32>
      %jit3A_298 = arith.constant 0.000000e+00 : f32
      %jit3A_299 = arith.constant 1.000000e+00 : f32
      %max3A_300 = vector.broadcast %jit3A_298 : f32 to vector<512x1xf32>
      %max3A_301 = arith.maximumf %max3A_300, %broadcast_in_dim3A_152 : vector<512x1xf32>
      %min3A_302 = vector.broadcast %jit3A_299 : f32 to vector<512x1xf32>
      %min3A_303 = arith.minimumf %min3A_302, %max3A_301 : vector<512x1xf32>
      %jit3A_304 = arith.constant 0.000000e+00 : f32
      %jit3A_305 = arith.constant 1.000000e+00 : f32
      %max3A_306 = vector.broadcast %jit3A_304 : f32 to vector<512x1xf32>
      %max3A_307 = arith.maximumf %max3A_306, %broadcast_in_dim3A_157 : vector<512x1xf32>
      %min3A_308 = vector.broadcast %jit3A_305 : f32 to vector<512x1xf32>
      %min3A_309 = arith.minimumf %min3A_308, %max3A_307 : vector<512x1xf32>
      %get3A_310 = arith.constant 0 : index
      %get3A_311 = arith.constant 0 : index
      %get3A_312 = arith.constant 0 : index
      %get3A_313 = vector.load %arg4[%get3A_310, %get3A_311, %get3A_312] : memref<1x4x1536xf32, #tpu.memory_space<vmem>>, vector<1x1x1536xf32>
      %mul3A_314 = vector.broadcast %min3A_291 : vector<512x1xf32> to vector<512x1536xf32>
      %mul3A_315 = arith.mulf %select_n3A_285, %mul3A_314 : vector<512x1536xf32>
      %reduce_sum3A_316 = arith.constant dense<0.000000e+00> : vector<1536xf32>
      %reduce_sum3A_317 = vector.multi_reduction <add>, %mul3A_315, %reduce_sum3A_316 [0] : vector<512x1536xf32> to vector<1536xf32>
      %broadcast_in_dim3A_318 = vector.shape_cast %reduce_sum3A_317 : vector<1536xf32> to vector<1x1536xf32>
      %reshape3A_319 = vector.shape_cast %broadcast_in_dim3A_318 : vector<1x1536xf32> to vector<1x1x1536xf32>
      %add3A_320 = arith.addf %get3A_313, %reshape3A_319 : vector<1x1x1536xf32>
      %swap3A_321 = arith.constant 0 : index
      %swap3A_322 = arith.constant 0 : index
      %swap3A_323 = arith.constant 0 : index
      %swap3A_324 = vector.load %arg4[%swap3A_321, %swap3A_322, %swap3A_323] : memref<1x4x1536xf32, #tpu.memory_space<vmem>>, vector<1x1x1536xf32>
      tpu.vector_store %arg4[%swap3A_321, %swap3A_322, %swap3A_323], %add3A_320 {strides = array<i32>} : memref<1x4x1536xf32, #tpu.memory_space<vmem>>, vector<1x1x1536xf32>,
      %get3A_325 = arith.constant 0 : index
      %get3A_326 = arith.constant 1 : index
      %get3A_327 = arith.constant 0 : index
      %get3A_328 = vector.load %arg4[%get3A_325, %get3A_326, %get3A_327] : memref<1x4x1536xf32, #tpu.memory_space<vmem>>, vector<1x1x1536xf32>
      %mul3A_329 = vector.broadcast %min3A_297 : vector<512x1xf32> to vector<512x1536xf32>
      %mul3A_330 = arith.mulf %select_n3A_285, %mul3A_329 : vector<512x1536xf32>
      %reduce_sum3A_331 = arith.constant dense<0.000000e+00> : vector<1536xf32>
      %reduce_sum3A_332 = vector.multi_reduction <add>, %mul3A_330, %reduce_sum3A_331 [0] : vector<512x1536xf32> to vector<1536xf32>
      %broadcast_in_dim3A_333 = vector.shape_cast %reduce_sum3A_332 : vector<1536xf32> to vector<1x1536xf32>
      %reshape3A_334 = vector.shape_cast %broadcast_in_dim3A_333 : vector<1x1536xf32> to vector<1x1x1536xf32>
      %add3A_335 = arith.addf %get3A_328, %reshape3A_334 : vector<1x1x1536xf32>
      %swap3A_336 = arith.constant 0 : index
      %swap3A_337 = arith.constant 1 : index
      %swap3A_338 = arith.constant 0 : index
      %swap3A_339 = vector.load %arg4[%swap3A_336, %swap3A_337, %swap3A_338] : memref<1x4x1536xf32, #tpu.memory_space<vmem>>, vector<1x1x1536xf32>
      tpu.vector_store %arg4[%swap3A_336, %swap3A_337, %swap3A_338], %add3A_335 {strides = array<i32>} : memref<1x4x1536xf32, #tpu.memory_space<vmem>>, vector<1x1x1536xf32>,
      %get3A_340 = arith.constant 0 : index
      %get3A_341 = arith.constant 2 : index
      %get3A_342 = arith.constant 0 : index
      %get3A_343 = vector.load %arg4[%get3A_340, %get3A_341, %get3A_342] : memref<1x4x1536xf32, #tpu.memory_space<vmem>>, vector<1x1x1536xf32>
      %mul3A_344 = vector.broadcast %min3A_303 : vector<512x1xf32> to vector<512x1536xf32>
      %mul3A_345 = arith.mulf %select_n3A_285, %mul3A_344 : vector<512x1536xf32>
      %reduce_sum3A_346 = arith.constant dense<0.000000e+00> : vector<1536xf32>
      %reduce_sum3A_347 = vector.multi_reduction <add>, %mul3A_345, %reduce_sum3A_346 [0] : vector<512x1536xf32> to vector<1536xf32>
      %broadcast_in_dim3A_348 = vector.shape_cast %reduce_sum3A_347 : vector<1536xf32> to vector<1x1536xf32>
      %reshape3A_349 = vector.shape_cast %broadcast_in_dim3A_348 : vector<1x1536xf32> to vector<1x1x1536xf32>
      %add3A_350 = arith.addf %get3A_343, %reshape3A_349 : vector<1x1x1536xf32>
      %swap3A_351 = arith.constant 0 : index
      %swap3A_352 = arith.constant 2 : index
      %swap3A_353 = arith.constant 0 : index
      %swap3A_354 = vector.load %arg4[%swap3A_351, %swap3A_352, %swap3A_353] : memref<1x4x1536xf32, #tpu.memory_space<vmem>>, vector<1x1x1536xf32>
      tpu.vector_store %arg4[%swap3A_351, %swap3A_352, %swap3A_353], %add3A_350 {strides = array<i32>} : memref<1x4x1536xf32, #tpu.memory_space<vmem>>, vector<1x1x1536xf32>,
      %get3A_355 = arith.constant 0 : index
      %get3A_356 = arith.constant 3 : index
      %get3A_357 = arith.constant 0 : index
      %get3A_358 = vector.load %arg4[%get3A_355, %get3A_356, %get3A_357] : memref<1x4x1536xf32, #tpu.memory_space<vmem>>, vector<1x1x1536xf32>
      %mul3A_359 = vector.broadcast %min3A_309 : vector<512x1xf32> to vector<512x1536xf32>
      %mul3A_360 = arith.mulf %select_n3A_285, %mul3A_359 : vector<512x1536xf32>
      %reduce_sum3A_361 = arith.constant dense<0.000000e+00> : vector<1536xf32>
      %reduce_sum3A_362 = vector.multi_reduction <add>, %mul3A_360, %reduce_sum3A_361 [0] : vector<512x1536xf32> to vector<1536xf32>
      %broadcast_in_dim3A_363 = vector.shape_cast %reduce_sum3A_362 : vector<1536xf32> to vector<1x1536xf32>
      %reshape3A_364 = vector.shape_cast %broadcast_in_dim3A_363 : vector<1x1536xf32> to vector<1x1x1536xf32>
      %add3A_365 = arith.addf %get3A_358, %reshape3A_364 : vector<1x1x1536xf32>
      %swap3A_366 = arith.constant 0 : index
      %swap3A_367 = arith.constant 3 : index
      %swap3A_368 = arith.constant 0 : index
      %swap3A_369 = vector.load %arg4[%swap3A_366, %swap3A_367, %swap3A_368] : memref<1x4x1536xf32, #tpu.memory_space<vmem>>, vector<1x1x1536xf32>
      tpu.vector_store %arg4[%swap3A_366, %swap3A_367, %swap3A_368], %add3A_365 {strides = array<i32>} : memref<1x4x1536xf32, #tpu.memory_space<vmem>>, vector<1x1x1536xf32>,
      %get3A_370 = arith.constant 0 : index
      %get3A_371 = arith.constant 0 : index
      %get3A_372 = arith.constant 0 : index
      %get3A_373 = vector.load %arg5[%get3A_370, %get3A_371, %get3A_372] : memref<1x1x1536xf32, #tpu.memory_space<vmem>>, vector<1x1x1536xf32>
      %mul3A_374 = vector.broadcast %broadcast_in_dim3A_167 : vector<512x1xf32> to vector<512x1536xf32>
      %mul3A_375 = arith.mulf %select_n3A_285, %mul3A_374 : vector<512x1536xf32>
      %reduce_sum3A_376 = arith.constant dense<0.000000e+00> : vector<1536xf32>
      %reduce_sum3A_377 = vector.multi_reduction <add>, %mul3A_375, %reduce_sum3A_376 [0] : vector<512x1536xf32> to vector<1536xf32>
      %broadcast_in_dim3A_378 = vector.shape_cast %reduce_sum3A_377 : vector<1536xf32> to vector<1x1536xf32>
      %reshape3A_379 = vector.shape_cast %broadcast_in_dim3A_378 : vector<1x1536xf32> to vector<1x1x1536xf32>
      %add3A_380 = arith.addf %get3A_373, %reshape3A_379 : vector<1x1x1536xf32>
      %swap3A_381 = arith.constant 0 : index
      %swap3A_382 = arith.constant 0 : index
      %swap3A_383 = arith.constant 0 : index
      %swap3A_384 = vector.load %arg5[%swap3A_381, %swap3A_382, %swap3A_383] : memref<1x1x1536xf32, #tpu.memory_space<vmem>>, vector<1x1x1536xf32>
      tpu.vector_store %arg5[%swap3A_381, %swap3A_382, %swap3A_383], %add3A_380 {strides = array<i32>} : memref<1x1x1536xf32, #tpu.memory_space<vmem>>, vector<1x1x1536xf32>,
      %add3A_385 = arith.addf %while3A_106, %reduce_sum3A_261 : f32
      scf.yield %add3A_108, %add3A_385 : i32, f32
    }
    return
  }
  func.func @transform_0(%arg0: i32) -> (i32, i32, i32) {
    %c0_i32 = arith.constant 0 : i32
    %c0_i32_0 = arith.constant 0 : i32
    %c0_i32_1 = arith.constant 0 : i32
    return %arg0, %c0_i32, %c0_i32_0 : i32, i32, i32
  }
  func.func @transform_1(%arg0: i32) -> (i32, i32, i32) {
    %c0_i32 = arith.constant 0 : i32
    %c0_i32_0 = arith.constant 0 : i32
    %c0_i32_1 = arith.constant 0 : i32
    return %arg0, %c0_i32, %c0_i32_0 : i32, i32, i32
  }
  func.func @transform_2(%arg0: i32) -> (i32, i32, i32) {
    %c0_i32 = arith.constant 0 : i32
    %c0_i32_0 = arith.constant 0 : i32
    %c0_i32_1 = arith.constant 0 : i32
    return %arg0, %c0_i32, %c0_i32_0 : i32, i32, i32
  }
  func.func @transform_3(%arg0: i32) -> (i32, i32, i32) {
    %c0_i32 = arith.constant 0 : i32
    %c0_i32_0 = arith.constant 0 : i32
    %c0_i32_1 = arith.constant 0 : i32
    return %arg0, %c0_i32, %c0_i32_0 : i32, i32, i32
  }
  func.func @transform_4(%arg0: i32) -> (i32, i32, i32) {
    %c0_i32 = arith.constant 0 : i32
    %c0_i32_0 = arith.constant 0 : i32
    %c0_i32_1 = arith.constant 0 : i32
    return %arg0, %c0_i32, %c0_i32_0 : i32, i32, i32
  }
}

</mosaic_0001>

<sc_bundles>
// kernel: gather_offload_async_start.1
scs
__scs_entry_jumppad:
0x0: {  	(pc) =	sbr.rel $0x88, $3  }
0x1: {  	(tag) =	ssettag $0x0;
	lr =	simm.s32 $0x1  }
0x2: {  	[smem:$0x3F9E] =	sst lr;
	_ =	strace $0xD0000000  }
0x3: {  	_ = 	snop  }
0x4: {  	_ = 	snop  }
0x5: {  	_ = 	snop  }
0x6: {  	_ = 	snop  }
0x7: {  	_ = 	snop  }
__scs_overlays_trampoline_lowered:
0x8: {  	[smem:$0x3FAD] =	sst s0  }
0x9: {  	[smem:$0x3FAE] =	sst s1  }
0xa: {  	[smem:$0x3FAF] =	sst s2  }
0xb: {  	[smem:$0x3FB0] =	sst s3  }
0xc: {  	[smem:$0x3FB1] =	sst s4  }
0xd: {  	[smem:$0x3FB2] =	sst s5  }
0xe: {  	[smem:$0x3FB3] =	sst s6  }
0xf: {  	[smem:$0x3FB4] =	sst s7  }
0x10: {  	[smem:$0x3FB5] =	sst s8  }
0x11: {  	[smem:$0x3FB6] =	sst s9;
	s0 =	simm.s32 @!p0 $0x0  }
0x12: {  	s1 =	sld [smem:$0x3F9C];
	s0 =	simm.s32 @p0 $0x1  }
0x13: {  	[smem:$0x3FB7] =	sst s0;
	s0 =	simm.s32 @!p1 $0x0  }
0x14: {  	s2 =	sld [smem:$0x3F9B];
	s0 =	simm.s32 @p1 $0x1  }
0x15: {  	[smem:$0x3FB8] =	sst s0;
	s0 =	simm.s32 @!p2 $0x0  }
0x16: {  	s3 =	sld [smem:$0x3FDB];
	s0 =	simm.s32 @p2 $0x1  }
0x17: {  	s4 =	simm.s32 $0x1BF5;
	[smem:$0x3FBA] =	sst s0  }
0x18: {  	s0 =	sld [smem:$0x3F9D];
	_ =	swait.ge [sflag:s4], $0x0  }
0x19: {  	s7 =	sld [smem:$0x3F9E]  }
0x1a: {  	s8 =	sadd.s32 $0xFFFFE003, lr  }
0x1b: {  	s9 =	sadd.s32 $0xFFFFFEF7, lr;
	s5 =	simm.s32 $0xFFFFFFFF;
	p2 =	slt.u32 s8, $0xFFFFF086  }
0x1c: {  	p1 =	slt.u32 s9, $0xF7A;
	s5 =	simm.s32 @!p2 $0x0  }
0x1d: {  	s5 =	simm.s32 @p1 $0x1;
	p0 =	seq.s32 s7, s2  }
0x1e: {  	s7 =	smul.u32 @!p0 $0xF7A, s2;
	p2 =	seq.s32 @!p0 s5, $0x0  }
0x1f: {  	s9 =	smul.u32 $0xF7A, s1;
	s8 =	simm.s32 @!p0 $0x1BF5;
	p2 =	por !p2, p0  }
0x20: {  	[sflag:s8] =	ssyncset.s32 @!p0 $0xFFFFF086;
	s6 =	sadd.s32 @!p0 s3, s7;
	s7 =	simm.s32 @!p0 $0x108  }
0x21: {  	s3 =	sadd.s32 s3, s9;
	s6 =	sadd.s32 @!p0 $0x88, s6;
	s7 =	simm.s32 @p2 $0x1082  }
0x22: {  	[simem:s7], [sflag:s8] =	dma.local @!p0 [hbm:s6], $0xF7A  }
0x23: {  	s9 =	sor.u32 $0xD0000000, s2;
	s6 =	simm.s32 $0x108;
	_ =	swait.ge @!p0 [sflag:s8], $0x0  }
0x24: {  	s3 =	sadd.s32 $0x88, s3;
	s6 =	simm.s32 @!p1 $0x1082;
	[sflag:s4] =	ssyncset.s32 $0xFFFFF086  }
0x25: {  	[simem:s6], [sflag:s4] =	dma.local [hbm:s3], $0xF7A  }
0x26: {  	[smem:$0x3F9E] =	sst s1;
	(tag) =	ssettag s2;
	_ =	strace s9  }
0x27: {  	s1 =	sld [smem:$0x3FAE]  }
0x28: {  	s2 =	sld [smem:$0x3FAF]  }
0x29: {  	s4 =	sld [smem:$0x3FB1]  }
0x2a: {  	p0 =	seq.s32 s5, $0x0;
	s5 =	sld [smem:$0x3FB2]  }
0x2b: {  	s6 =	sld [smem:$0x3FB3]  }
0x2c: {  	s7 =	sld [smem:$0x3FB4]  }
0x2d: {  	s3 =	simm.s32 $0x108;
	s8 =	sld [smem:$0x3FB5]  }
0x2e: {  	s3 =	simm.s32 @!p0 $0x1082;
	s9 =	sld [smem:$0x3FB6]  }
0x2f: {  	lr =	sadd.s32 s0, s3;
	s0 =	sld [smem:$0x3FAD]  }
0x30: {  	s3 =	sld [smem:$0x3FB0]  }
0x31: {  	[smem:$0x3FB9] =	sst s10  }
0x32: {  	s10 =	sld [smem:$0x3FB7];
	_ =	sdelay $0x3  }
0x33: {  	p0 =	seq.s32 s10, $0x1;
	s10 =	sld [smem:$0x3FB9];
	_ =	sdelay $0x3  }
0x34: {  	[smem:$0x3FB9] =	sst s10  }
0x35: {  	s10 =	sld [smem:$0x3FB8];
	_ =	sdelay $0x3  }
0x36: {  	p1 =	seq.s32 s10, $0x1;
	s10 =	sld [smem:$0x3FB9];
	_ =	sdelay $0x3  }
0x37: {  	[smem:$0x3FB9] =	sst s10  }
0x38: {  	s10 =	sld [smem:$0x3FBA]  }
0x39: {  	_ = 	snop;
	(pc) =	sbr.ind lr, $3  }
0x3a: {  	_ = 	snop  }
0x3b: {  	_ = 	snop  }
0x3c: {  	p2 =	seq.s32 s10, $0x1;
	s10 =	sld [smem:$0x3FB9]  }
0x3d: {  	_ =	shalt  }
0x3e: {  	_ =	shalt  }
0x3f: {  	_ =	shalt  }
0x40: {  	_ =	shalt  }
0x41: {  	_ =	shalt  }
0x42: {  	_ =	shalt  }
0x43: {  	_ =	shalt  }
0x44: {  	_ =	shalt  }
0x45: {  	_ =	shalt  }
0x46: {  	_ =	shalt  }
0x47: {  	_ =	shalt  }
0x48: {  	_ =	shalt  }
0x49: {  	_ =	shalt  }
0x4a: {  	_ =	shalt  }
0x4b: {  	_ =	shalt  }
0x4c: {  	_ =	shalt  }
0x4d: {  	_ =	shalt  }
0x4e: {  	_ =	shalt  }
0x4f: {  	_ =	shalt  }
0x50: {  	_ =	shalt  }
0x51: {  	_ =	shalt  }
0x52: {  	_ =	shalt  }
0x53: {  	_ =	shalt  }
0x54: {  	_ =	shalt  }
0x55: {  	_ =	shalt  }
0x56: {  	_ =	shalt  }
0x57: {  	_ =	shalt  }
0x58: {  	_ =	shalt  }
0x59: {  	_ =	shalt  }
0x5a: {  	_ =	shalt  }
0x5b: {  	_ =	shalt  }
0x5c: {  	_ =	shalt  }
0x5d: {  	_ =	shalt  }
0x5e: {  	_ =	shalt  }
0x5f: {  	_ =	shalt  }
0x60: {  	_ =	shalt  }
0x61: {  	_ =	shalt  }
0x62: {  	_ =	shalt  }
0x63: {  	_ =	shalt  }
0x64: {  	_ =	shalt  }
0x65: {  	_ =	shalt  }
0x66: {  	_ =	shalt  }
0x67: {  	_ =	shalt  }
0x68: {  	_ =	shalt  }
0x69: {  	_ =	shalt  }
0x6a: {  	_ =	shalt  }
0x6b: {  	_ =	shalt  }
0x6c: {  	_ =	shalt  }
0x6d: {  	_ =	shalt  }
0x6e: {  	_ =	shalt  }
0x6f: {  	_ =	shalt  }
0x70: {  	_ =	shalt  }
0x71: {  	_ =	shalt  }
0x72: {  	_ =	shalt  }
0x73: {  	_ =	shalt  }
0x74: {  	_ =	shalt  }
0x75: {  	_ =	shalt  }
0x76: {  	_ =	shalt  }
0x77: {  	_ =	shalt  }
0x78: {  	_ =	shalt  }
0x79: {  	_ =	shalt  }
0x7a: {  	_ =	shalt  }
0x7b: {  	_ =	shalt  }
0x7c: {  	_ =	shalt  }
0x7d: {  	_ =	shalt  }
0x7e: {  	_ =	shalt  }
0x7f: {  	_ =	shalt  }
0x80: {  	_ =	shalt  }
0x81: {  	_ =	shalt  }
0x82: {  	_ =	shalt  }
0x83: {  	_ =	shalt  }
0x84: {  	_ =	shalt  }
0x85: {  	_ =	shalt  }
0x86: {  	_ =	shalt  }
0x87: {  	_ =	shalt  }
.Lfunc_end0:
.L_simem_size_0:
called_computation.1_lowered:
.L_overlay_start_0:
0x88: {  	s2 =	sld [smem:$0x3FD9]  }
0x89: {  	s3 =	sld [smem:$0x3FFE];
	_ =	sdelay $0x1  }
0x8a: {  	s1 =	srdreg.scid  }
0x8b: {  	s0 =	sand.u32 $0x1, s1  }
0x8c: {  	s15 =	sshll.u32 s0, $0xA;
	s2 =	sadd.s32 s3, s2  }
0x8d: {  	s2 =	sadd.s32 s2, s15  }
0x8e: {  	[smem:$0x3FC5] =	sst s2  }
0x8f: {  	_ = 	snop  }
0x90: {  	s2 =	sld [smem:$0x3FD0];
	_ =	sdelay $0x2  }
0x91: {  	s16 =	simm.s32 $0xB;
	s4 =	simm.s32 $0x10  }
0x92: {  	[smem:s4], [sflag:s16] =	dma.local [hbm:s2], $0x1  }
0x93: {  	_ =	swait.eq [sflag:s16], $0x1  }
0x94: {  	[sflag:s16] =	ssyncset.done $0x0  }
0x95: {  	[sflag:s16] =	ssyncadd.s32 $0xFFFFFFFF  }
0x96: {  	s17 =	sld [smem:$0x10];
	(tm) =	ssettm $0x1  }
0x97: {  	s18 =	sld [smem:$0x3FFB];
	_ =	sdelay $0x3  }
0x98: {  	_ =	strace s18  }
0x99: {  	s2 =	sld [smem:$0x3FFC];
	_ =	sdelay $0x3  }
0x9a: {  	_ =	strace s2  }
0x9b: {  	s2 =	sld [smem:$0x3FFD];
	_ =	sdelay $0x3  }
0x9c: {  	_ =	strace s2  }
0x9d: {  	_ =	strace $0x8FFFFFFF  }
0x9e: {  	s19 =	sld [smem:$0x3FDB];
	_ =	sdelay $0x1  }
0x9f: {  	s20 =	simm.s32 $_scs_section_size  }
0xa0: {  	s5 =	simm.s32 $_size__tile_overlayer_lowered;
	s6 =	simm.s32 $_tile_overlayer_lowered  }
0xa1: {  	s7 =	simm.s32 $0x1BFF;
	s21 =	sshll.u32 s6, $0x1;
	s4 =	sadd.s32 s20, s19  }
0xa2: {  	s22 =	simm.s32 $0x0;
	s5 =	sshll.u32 s5, $0x1;
	s6 =	sadd.s32 s21, s4  }
0xa3: {  	[timem:s22], [sflag:s7] =	dma.local [hbm:s6], s5  }
0xa4: {  	_ =	swait.ge [sflag:s7], s5  }
0xa5: {  	s5 =	ssub.s32 $0x0, s5;
	[sflag:s7] =	ssyncset.done $0x0  }
0xa6: {  	[sflag:s7] =	ssyncadd.s32 s5;
	_ =	sdelay $0x1  }
0xa7: {  	s23 =	simm.s32 $0x1B8B  }
0xa8: {  	_ =	swait.ge [sflag:s23], $0x1  }
0xa9: {  	[sflag:s23] =	ssyncset.done $0x0  }
0xaa: {  	[sflag:s23] =	ssyncadd.s32 $0xFFFFFFFF  }
0xab: {  	s5 =	sld [smem:$0x0]  }
0xac: {  	s6 =	sand.u32 $0xFFFFFFFE, s1  }
0xad: {  	p0 =	sne.s32 s1, s6  }
0xae: {  	s6 =	sshll.u32 @p0 s6, $0xE  }
0xaf: {  	s6 =	sadd.s32 @p0 $0x11B8D, s6;
	s7 =	sshll.u32 @p0 s5, $0x11  }
0xb0: {  	s6 =	sor.u32 @p0 s7, s6  }
0xb1: {  	[sflag:s6] =	ssyncadd.remote.s32 @p0 $0x1;
	_ =	sdelay $0x1  }
0xb2: {  	s6 =	simm.s32 @p0 $0x1B8D  }
0xb3: {  	_ =	swait.eq @p0 [sflag:s6], $0x1  }
0xb4: {  	[sflag:s6] =	ssyncadd.s32 @p0 $0xFFFFFFFF  }
0xb5: {  	s7 =	sshll.u32 @!p0 s1, $0xE  }
0xb6: {  	s7 =	sor.u32 @!p0 $0x4000, s7;
	s6 =	simm.s32 @!p0 $0x1B8D  }
0xb7: {  	s5 =	sshll.u32 @!p0 s5, $0x11;
	s7 =	sadd.s32 @!p0 $0x11B8D, s7;
	_ =	swait.eq @!p0 [sflag:s6], $0x1  }
0xb8: {  	s5 =	sor.u32 @!p0 s5, s7;
	[sflag:s6] =	ssyncadd.s32 @!p0 $0xFFFFFFFF  }
0xb9: {  	s25 =	simm.s32 $0x1B8E;
	s24 =	sld [smem:$0x3FFE];
	[sflag:s5] =	ssyncadd.remote.s32 @!p0 $0x1  }
0xba: {  	s26 =	simm.s32 $execute0_lowered;
	[smem:$0x3FD2] =	sst s25  }
0xbb: {  	s6 =	sshll.u32 s26, $0x1;
	_ =	strace $0x80000049;
	[dreg:$0x1] =	wrdreg $0xFFFFFFFF  }
0xbc: {  	s28 =	simm.s32 $_size_execute0_lowered;
	s4 =	sadd.s32 s4, s6;
	[dreg:$0x0] =	wrdreg $0x0  }
0xbd: {  	s6 =	sshll.u32 s28, $0x1;
	[dreg:$0x2] =	wrdreg s4  }
0xbe: {  	[dreg:$0x3] =	wrdreg s6  }
0xbf: {  	[dreg:$0x4] =	wrdreg $0xC0  }
0xc0: {  	_ =	task [dreg:s22], $0x5FFFF  }
0xc1: {  	[dreg:$0x1] =	wrdreg $0xFFFFFFFF  }
0xc2: {  	[dreg:$0x0] =	wrdreg $0x60  }
0xc3: {  	[dreg:$0x2] =	wrdreg s24  }
0xc4: {  	[dreg:$0x3] =	wrdreg s17  }
0xc5: {  	[dreg:$0x4] =	wrdreg $0xA  }
0xc6: {  	_ =	task.clear_ibuf [dreg:s22], $0x5FFFF;
	_ =	strace $0x90000049  }
0xc7: {  	s29 =	simm.s32 $0xA;
	_ =	strace $0x8000004B  }
0xc8: {  	_ =	swait.ge [sflag:s29], $0x1  }
0xc9: {  	[sflag:s29] =	ssyncadd.s32 $0xFFFFFFFF  }
0xca: {  	_ =	strace $0x9000004B  }
0xcb: {  	_ =	sfence  }
0xcc: {  	s30 =	sld [smem:$0x0];
	_ =	sdelay $0x2  }
0xcd: {  	s31 =	sshll.u32 s1, $0xD;
	s1 =	sshrl.u32 s1, $0x2  }
0xce: {  	s4 =	sand.u32 $0x4000, s31;
	s1 =	sadd.s32 s1, s30  }
0xcf: {  	s0 =	sor.u32 s4, s0;
	s1 =	sshll.u32 s1, $0x11  }
0xd0: {  	s0 =	sor.u32 s1, s0  }
0xd1: {  	s0 =	sadd.s32 $0x8F2B, s0  }
0xd2: {  	[sflag:s0] =	ssyncadd.remote.s32 $0x1  }
0xd3: {  	_ =	sfence.sel $0xFFFF  }
0xd4: {  	[dreg:$0x0] =	wrdreg $0xFFFFFFFF;
	(pc) =	sbr.abs _section_cstart, $3  }
0xd5: {  	[dreg:$0x1] =	wrdreg $0xFFFFFFFF  }
0xd6: {  	_ =	task.clear_ibuf [dreg:s22], $0x2FFFF;
	_ =	strace $0x9FFFFFFF  }
0xd7: {  	(tm) =	ssettm $0x7FFFFFFF  }
tec
execute0_lowered:
.L_overlay_start_1:
0x0: {  	(tag) =	ssettag $0x1  }
0x1: {  	s7 =	rddreg [dreg:$0x0]  }
0x2: {  	s0 =	srdreg.scid;
	s2 =	rddreg [dreg:$0x1]  }
0x3: {  	s1 =	stileid.u32;
	s5 =	simm.s32 $0x2;
	s9 =	simm.s32 $0x3  }
0x4: {  	s3 =	sshll.u32 s0, $0x4;
	s0 =	rddreg [dreg:$0x2];
	_ =	strace $0x8000004A  }
.Ltmp0:
0x5: {  	s4 =	sand.u32 $0x10, s3;
	s3 =	simm.s32 $0x1;
	(pc) =	sbr.rel .LBB2_1-.Ltmp0, $4  }
0x6: {  	s11 =	simm.s32 $0x0;
	s4 =	sor.u32 s1, s4;
	[sflag:s3] =	ssyncpa.u1 $0x0  }
0x7: {  	p0 =	por $0x0, $0x0;
	s4 =	smul.u32 $0x600, s4;
	[sflag:s5] =	ssyncpa.u1 $0x0  }
0x8: {  	s6 =	sadd.s32 $0x3A9800, s7;
	s7 =	sadd.s32 $0x61A800, s7;
	[sflag:s9] =	ssyncpa.u1 $0x0  }
0x9: {  	vm0 =	vmmov $0xff;
	vm1 =	vcmask $0x3F20;
	s9 =	simm.s32 $0x0;
	s8 =	sadd.s32 $0x600, s4;
	s10 =	smov.u32 s4  }
.LBB2_6:
0xa: {  	[hbm:s15] =	stream.linear.scatter [tilespmem:s12], [sflag:$0x3], $0x400, $0x38;
	[tilespmem:$0x18300] =	vst v63  }
.LBB2_7:
0xb: {  	p1 =	slt.u32 s9, $0x2;
	s11 =	sadd.s32 $0x180, s10  }
0xc: {  	s13 =	smov.u32 s4;
	s9 =	sadd.s32 $0x1, s9;
	p2 =	slt.s32 s11, s8  }
0xd: {  	s13 =	smov.u32 @p2 s11;
	p2 =	sne.s32 s9, $0x6  }
.Ltmp1:
0xe: {  	_ = 	snop;
	(pc) =	sbr.rel @!p2 .LBB2_8-.Ltmp1, $4  }
0xf: {  	s12 =	simm.s32 @!p1 $0x3  }
0x10: {  	_ =	swait.ge @!p1 [sflag:s12], $0xC000  }
0x11: {  	p0 =	por !p0, !p0;
	[sflag:s12] =	ssyncset.done @!p1 $0x0  }
0x12: {  	s11 =	smov.u32 s10;
	s10 =	smov.u32 s13;
	[sflag:s12] =	ssyncadd.s32 @!p1 $0xFFFF4000  }
.LBB2_1:
0x13: {  	p1 =	sgt.u32 s9, $0x3  }
0x14: {  	s12 =	sxor.u32 @!p1 $0xFFFFFFFF, s9  }
0x15: {  	s12 =	sand.u32 @!p1 $0x1, s12  }
0x16: {  	s12 =	smul.u32 @!p1 $0x600, s12  }
0x17: {  	s31 =	sadd.s32 $0xFFFFFFFF, s9;
	s13 =	sshrl.u32 @!p1 s10, $0x3  }
0x18: {  	s14 =	sand.u32 @!p1 $0x7, s10;
	s13 =	sadd.s32 @!p1 s2, s13;
	s12 =	sshrl.u32 @!p1 s12, $0x2  }
0x19: {  	[tilespmem:s12], [sflag:$0x2] =	stream.linear.gather @!p1 [hbm4b:s13+s14], $0x180, $0x38;
	[tilespmem:$0x18300] =	vst v63  }
0x1a: {  	p1 =	sgt.u32 s31, $0x3  }
.Ltmp2:
0x1b: {  	_ = 	snop;
	(pc) =	sbr.rel @p1 .LBB2_7-.Ltmp2, $1  }
0x1c: {  	_ =	sdelay $0x3  }
0x1d: {  	s12 =	simm.s32 $0x1  }
0x1e: {  	s12 =	simm.s32 @!p0 $0x0  }
0x1f: {  	s13 =	smul.u32 $0x600, s12  }
0x20: {  	_ =	swait.ge [sflag:s5], $0x180  }
0x21: {  	[sflag:s5] =	ssyncset.done $0x0;
	s14 =	sshrl.u32 s13, $0x2  }
0x22: {  	[sflag:s5] =	ssyncadd.s32 $0xFFFFFE80;
	s13 =	sadd.s32 $0x0, s14  }
0x23: {  	v0 =	vld.msk [tilespmem:s13+$0x0 ss:$0x1], $0xffff;
	_ =	sdelay $0x4  }
0x24: {  	v1 =	vand.u32 $0x7, v0;
	v2 =	vshll.u32 v0, $0x4  }
0x25: {  	vm2 =	veq.s32 v0, $0x80000000;
	v0 =	vmul.u32 $0x271000, v1;
	v1 =	vand.u32 $0x3FFF80, v2  }
0x26: {  	v1 =	vsel vm2, $0xFFFFFF80, v1  }
0x27: {  	v0 =	vsel vm2, $0xFFD8F000, v0;
	v2 =	vand.u32 $0xFFFFFC00, v1  }
0x28: {  	v1 =	vand.u32 $0x380, v1;
	v0 =	vadd.s32 v0, v2  }
0x29: {  	v0 =	vor.u32 v1, v0  }
0x2a: {  	v0 =	vshrl.u32 v0, $0x3  }
0x2b: {  	s12 =	smul.u32 $0x30000, s12;
	_ =	sdelay $0x1  }
0x2c: {  	s12 =	sshrl.u32 s12, $0x2  }
0x2d: {  	s12 =	sor.u32 $0x300, s12  }
0x2e: {  	[tilespmem:s12], [sflag:$0x1] =	stream.indirect_vreg.gather [hbm:s6], $0x80, v0, vm0, $0x38;
	[tilespmem:$0x18300] =	vst v63  }
0x2f: {  	s15 =	sadd.s32 $0x10, s14;
	s13 =	sadd.s32 $0x400, s12  }
0x30: {  	[tilespmem:s13], [sflag:$0x1] =	stream.indirect_vreg.gather [hbm:s6], $0x80, v0, vm1, $0x38;
	[tilespmem:$0x18300] =	vst v63  }
0x31: {  	s16 =	simm.s32 $0x80;
	v0 =	vld.msk [tilespmem:s15+$0x0 ss:$0x1], $0xffff;
	s15 =	smov.u32 s12  }
.LBB2_3:
0x32: {  	p1 =	sne.s32 s16, $0x5C0;
	_ =	sdelay $0x4  }
0x33: {  	v1 =	vand.u32 $0x7, v0;
	v2 =	vshll.u32 v0, $0x4  }
0x34: {  	vm2 =	veq.s32 v0, $0x80000000;
	v0 =	vmul.u32 $0x271000, v1;
	v1 =	vand.u32 $0x3FFF80, v2  }
0x35: {  	v1 =	vsel vm2, $0xFFFFFF80, v1  }
0x36: {  	v0 =	vsel vm2, $0xFFD8F000, v0;
	v2 =	vand.u32 $0xFFFFFC00, v1  }
0x37: {  	v1 =	vand.u32 $0x380, v1;
	v0 =	vadd.s32 v0, v2  }
0x38: {  	v0 =	vor.u32 v1, v0  }
0x39: {  	v0 =	vshrl.u32 v0, $0x3;
	_ =	sdelay $0x3  }
.Ltmp3:
0x3a: {  	s17 =	sshra.s32 s16, $0x2;
	s15 =	sadd.s32 $0x800, s15;
	(pc) =	sbr.rel @p1 .LBB2_3-.Ltmp3, $4  }
0x3b: {  	[tilespmem:s15], [sflag:$0x1] =	stream.indirect_vreg.gather [hbm:s6], $0x80, v0, vm0, $0x38;
	[tilespmem:$0x18300] =	vst v63  }
0x3c: {  	s17 =	sadd.s32 s17, s14;
	s18 =	sadd.s32 $0x400, s15  }
0x3d: {  	[tilespmem:s18], [sflag:$0x1] =	stream.indirect_vreg.gather [hbm:s6], $0x80, v0, vm1, $0x38;
	[tilespmem:$0x18300] =	vst v63  }
0x3e: {  	s16 =	sadd.s32 $0x40, s16;
	v0 =	vld.msk [tilespmem:s17+$0x0 ss:$0x1], $0xffff  }
0x3f: {  	_ =	sdelay $0x3  }
0x40: {  	v1 =	vand.u32 $0x7, v0;
	v2 =	vshll.u32 v0, $0x4  }
0x41: {  	vm2 =	veq.s32 v0, $0x80000000;
	v61 =	vmul.u32 $0x271000, v1;
	v62 =	vand.u32 $0x3FFF80, v2  }
0x42: {  	v1 =	vsel vm2, $0xFFFFFF80, v62  }
0x43: {  	v0 =	vsel vm2, $0xFFD8F000, v61;
	v63 =	vand.u32 $0xFFFFFC00, v1  }
0x44: {  	v1 =	vand.u32 $0x380, v1;
	v0 =	vadd.s32 v0, v63  }
0x45: {  	v0 =	vor.u32 v1, v0  }
0x46: {  	v0 =	vshrl.u32 v0, $0x3;
	_ =	sdelay $0x3  }
0x47: {  	s14 =	sadd.s32 $0x800, s15  }
0x48: {  	[tilespmem:s14], [sflag:$0x1] =	stream.indirect_vreg.gather [hbm:s6], $0x80, v0, vm0, $0x38;
	[tilespmem:$0x18300] =	vst v63  }
0x49: {  	s14 =	sadd.s32 $0x400, s14  }
0x4a: {  	[tilespmem:s14], [sflag:$0x1] =	stream.indirect_vreg.gather [hbm:s6], $0x80, v0, vm1, $0x38;
	[tilespmem:$0x18300] =	vst v63  }
0x4b: {  	s11 =	sshll.u32 s11, $0x4;
	_ =	swait.ge [sflag:s3], $0xC000  }
0x4c: {  	s11 =	sadd.s32 s11, s7;
	[sflag:s3] =	ssyncset.done $0x0  }
0x4d: {  	s15 =	sadd.s32 $0x0, s11;
	s14 =	simm.s32 $0x80;
	[sflag:s3] =	ssyncadd.s32 $0xFFFF4000  }
.LBB2_5:
0x4e: {  	[hbm:s15] =	stream.linear.scatter [tilespmem:s12], [sflag:$0x3], $0x400, $0x38;
	[tilespmem:$0x18300] =	vst v63  }
0x4f: {  	s15 =	smov.u32 s14;
	s12 =	smov.u32 s13;
	p1 =	sne.s32 s14, $0x1780  }
.Ltmp4:
0x50: {  	s14 =	sadd.s32 $0x80, s14;
	(pc) =	sbr.rel @p1 .LBB2_5-.Ltmp4, $2  }
0x51: {  	_ =	sdelay $0x2  }
0x52: {  	s13 =	sadd.s32 $0x400, s13;
	s15 =	sadd.s32 s15, s11  }
.Ltmp5:
0x53: {  	_ = 	snop;
	(pc) =	sbr.rel .LBB2_6-.Ltmp5, $1  }
0x54: {  	_ =	sdelay $0x3  }
.LBB2_8:
0x55: {  	_ =	sfence.sel $0x180000  }
0x56: {  	s2 =	simm.s32 $0x2;
	[bflag:$0x0] =	sbarrier.arrive $0xFFFF  }
0x57: {  	s30 =	simm.s32 $0x3;
	[sflag:s2] =	ssyncpa.u1 $0x1  }
0x58: {  	s31 =	simm.s32 $0x1;
	[sflag:s30] =	ssyncpa.u1 $0x1  }
0x59: {  	[sflag:s31] =	ssyncpa.u1 $0x1  }
0x5a: {  	p0 =	sne.s32 s1, $0x0;
	_ =	strace $0x9000004A  }
0x5b: {  	s0 =	sadd.s32 @!p0 $0x100000, s0;
	[bflag:$0x2] =	sbarrier.arrive $0xFFFF  }
0x5c: {  	[sflag:s0] =	ssyncadd.tile.s32 @!p0 $0x1;
	_ =	shalt  }
.Lfunc_end2:
_tile_overlayer_lowered:
.L_overlay_start_2:
0x5d: {  	(tag) =	ssettag $0x2  }
0x5e: {  	s0 =	rddreg [dreg:$0x0];
	s2 =	stileid.u32  }
0x5f: {  	s1 =	rddreg [dreg:$0x1];
	p0 =	sne.s32 s2, $0x0  }
0x60: {  	s3 =	rddreg [dreg:$0x2];
	[bflag:$0x3] =	sbarrier.arrive $0xFFFF;
	s2 =	simm.s32 @!p0 $0x1C01  }
0x61: {  	[timem:s3], [sflag:s2] =	dma.local @!p0 [hbm:s0], s1  }
0x62: {  	s0 =	simm.s32 @!p0 $0x1  }
0x63: {  	_ =	swait.ge @!p0 [sflag:s0], s1  }
0x64: {  	s1 =	ssub.s32 @!p0 $0x0, s1;
	[sflag:s0] =	ssyncset.done @!p0 $0x0  }
0x65: {  	[sflag:s0] =	ssyncadd.s32 @!p0 s1  }
0x66: {  	[bflag:$0x3] =	sbarrier.arrive $0xFFFF  }
0x67: {  	_ =	shalt  }

// kernel: gather_offload_async_start
scs
__scs_entry_jumppad:
0x0: {  	(pc) =	sbr.rel $0x88, $3  }
0x1: {  	(tag) =	ssettag $0x0;
	lr =	simm.s32 $0x1  }
0x2: {  	[smem:$0x3F9E] =	sst lr;
	_ =	strace $0xD0000000  }
0x3: {  	_ = 	snop  }
0x4: {  	_ = 	snop  }
0x5: {  	_ = 	snop  }
0x6: {  	_ = 	snop  }
0x7: {  	_ = 	snop  }
__scs_overlays_trampoline_lowered:
0x8: {  	[smem:$0x3FAD] =	sst s0  }
0x9: {  	[smem:$0x3FAE] =	sst s1  }
0xa: {  	[smem:$0x3FAF] =	sst s2  }
0xb: {  	[smem:$0x3FB0] =	sst s3  }
0xc: {  	[smem:$0x3FB1] =	sst s4  }
0xd: {  	[smem:$0x3FB2] =	sst s5  }
0xe: {  	[smem:$0x3FB3] =	sst s6  }
0xf: {  	[smem:$0x3FB4] =	sst s7  }
0x10: {  	[smem:$0x3FB5] =	sst s8  }
0x11: {  	[smem:$0x3FB6] =	sst s9;
	s0 =	simm.s32 @!p0 $0x0  }
0x12: {  	s1 =	sld [smem:$0x3F9C];
	s0 =	simm.s32 @p0 $0x1  }
0x13: {  	[smem:$0x3FB7] =	sst s0;
	s0 =	simm.s32 @!p1 $0x0  }
0x14: {  	s2 =	sld [smem:$0x3F9B];
	s0 =	simm.s32 @p1 $0x1  }
0x15: {  	[smem:$0x3FB8] =	sst s0;
	s0 =	simm.s32 @!p2 $0x0  }
0x16: {  	s3 =	sld [smem:$0x3FDB];
	s0 =	simm.s32 @p2 $0x1  }
0x17: {  	s4 =	simm.s32 $0x1BF5;
	[smem:$0x3FBA] =	sst s0  }
0x18: {  	s0 =	sld [smem:$0x3F9D];
	_ =	swait.ge [sflag:s4], $0x0  }
0x19: {  	s7 =	sld [smem:$0x3F9E]  }
0x1a: {  	s8 =	sadd.s32 $0xFFFFE003, lr  }
0x1b: {  	s9 =	sadd.s32 $0xFFFFFEF7, lr;
	s5 =	simm.s32 $0xFFFFFFFF;
	p2 =	slt.u32 s8, $0xFFFFF086  }
0x1c: {  	p1 =	slt.u32 s9, $0xF7A;
	s5 =	simm.s32 @!p2 $0x0  }
0x1d: {  	s5 =	simm.s32 @p1 $0x1;
	p0 =	seq.s32 s7, s2  }
0x1e: {  	s7 =	smul.u32 @!p0 $0xF7A, s2;
	p2 =	seq.s32 @!p0 s5, $0x0  }
0x1f: {  	s9 =	smul.u32 $0xF7A, s1;
	s8 =	simm.s32 @!p0 $0x1BF5;
	p2 =	por !p2, p0  }
0x20: {  	[sflag:s8] =	ssyncset.s32 @!p0 $0xFFFFF086;
	s6 =	sadd.s32 @!p0 s3, s7;
	s7 =	simm.s32 @!p0 $0x108  }
0x21: {  	s3 =	sadd.s32 s3, s9;
	s6 =	sadd.s32 @!p0 $0x88, s6;
	s7 =	simm.s32 @p2 $0x1082  }
0x22: {  	[simem:s7], [sflag:s8] =	dma.local @!p0 [hbm:s6], $0xF7A  }
0x23: {  	s9 =	sor.u32 $0xD0000000, s2;
	s6 =	simm.s32 $0x108;
	_ =	swait.ge @!p0 [sflag:s8], $0x0  }
0x24: {  	s3 =	sadd.s32 $0x88, s3;
	s6 =	simm.s32 @!p1 $0x1082;
	[sflag:s4] =	ssyncset.s32 $0xFFFFF086  }
0x25: {  	[simem:s6], [sflag:s4] =	dma.local [hbm:s3], $0xF7A  }
0x26: {  	[smem:$0x3F9E] =	sst s1;
	(tag) =	ssettag s2;
	_ =	strace s9  }
0x27: {  	s1 =	sld [smem:$0x3FAE]  }
0x28: {  	s2 =	sld [smem:$0x3FAF]  }
0x29: {  	s4 =	sld [smem:$0x3FB1]  }
0x2a: {  	p0 =	seq.s32 s5, $0x0;
	s5 =	sld [smem:$0x3FB2]  }
0x2b: {  	s6 =	sld [smem:$0x3FB3]  }
0x2c: {  	s7 =	sld [smem:$0x3FB4]  }
0x2d: {  	s3 =	simm.s32 $0x108;
	s8 =	sld [smem:$0x3FB5]  }
0x2e: {  	s3 =	simm.s32 @!p0 $0x1082;
	s9 =	sld [smem:$0x3FB6]  }
0x2f: {  	lr =	sadd.s32 s0, s3;
	s0 =	sld [smem:$0x3FAD]  }
0x30: {  	s3 =	sld [smem:$0x3FB0]  }
0x31: {  	[smem:$0x3FB9] =	sst s10  }
0x32: {  	s10 =	sld [smem:$0x3FB7];
	_ =	sdelay $0x3  }
0x33: {  	p0 =	seq.s32 s10, $0x1;
	s10 =	sld [smem:$0x3FB9];
	_ =	sdelay $0x3  }
0x34: {  	[smem:$0x3FB9] =	sst s10  }
0x35: {  	s10 =	sld [smem:$0x3FB8];
	_ =	sdelay $0x3  }
0x36: {  	p1 =	seq.s32 s10, $0x1;
	s10 =	sld [smem:$0x3FB9];
	_ =	sdelay $0x3  }
0x37: {  	[smem:$0x3FB9] =	sst s10  }
0x38: {  	s10 =	sld [smem:$0x3FBA]  }
0x39: {  	_ = 	snop;
	(pc) =	sbr.ind lr, $3  }
0x3a: {  	_ = 	snop  }
0x3b: {  	_ = 	snop  }
0x3c: {  	p2 =	seq.s32 s10, $0x1;
	s10 =	sld [smem:$0x3FB9]  }
0x3d: {  	_ =	shalt  }
0x3e: {  	_ =	shalt  }
0x3f: {  	_ =	shalt  }
0x40: {  	_ =	shalt  }
0x41: {  	_ =	shalt  }
0x42: {  	_ =	shalt  }
0x43: {  	_ =	shalt  }
0x44: {  	_ =	shalt  }
0x45: {  	_ =	shalt  }
0x46: {  	_ =	shalt  }
0x47: {  	_ =	shalt  }
0x48: {  	_ =	shalt  }
0x49: {  	_ =	shalt  }
0x4a: {  	_ =	shalt  }
0x4b: {  	_ =	shalt  }
0x4c: {  	_ =	shalt  }
0x4d: {  	_ =	shalt  }
0x4e: {  	_ =	shalt  }
0x4f: {  	_ =	shalt  }
0x50: {  	_ =	shalt  }
0x51: {  	_ =	shalt  }
0x52: {  	_ =	shalt  }
0x53: {  	_ =	shalt  }
0x54: {  	_ =	shalt  }
0x55: {  	_ =	shalt  }
0x56: {  	_ =	shalt  }
0x57: {  	_ =	shalt  }
0x58: {  	_ =	shalt  }
0x59: {  	_ =	shalt  }
0x5a: {  	_ =	shalt  }
0x5b: {  	_ =	shalt  }
0x5c: {  	_ =	shalt  }
0x5d: {  	_ =	shalt  }
0x5e: {  	_ =	shalt  }
0x5f: {  	_ =	shalt  }
0x60: {  	_ =	shalt  }
0x61: {  	_ =	shalt  }
0x62: {  	_ =	shalt  }
0x63: {  	_ =	shalt  }
0x64: {  	_ =	shalt  }
0x65: {  	_ =	shalt  }
0x66: {  	_ =	shalt  }
0x67: {  	_ =	shalt  }
0x68: {  	_ =	shalt  }
0x69: {  	_ =	shalt  }
0x6a: {  	_ =	shalt  }
0x6b: {  	_ =	shalt  }
0x6c: {  	_ =	shalt  }
0x6d: {  	_ =	shalt  }
0x6e: {  	_ =	shalt  }
0x6f: {  	_ =	shalt  }
0x70: {  	_ =	shalt  }
0x71: {  	_ =	shalt  }
0x72: {  	_ =	shalt  }
0x73: {  	_ =	shalt  }
0x74: {  	_ =	shalt  }
0x75: {  	_ =	shalt  }
0x76: {  	_ =	shalt  }
0x77: {  	_ =	shalt  }
0x78: {  	_ =	shalt  }
0x79: {  	_ =	shalt  }
0x7a: {  	_ =	shalt  }
0x7b: {  	_ =	shalt  }
0x7c: {  	_ =	shalt  }
0x7d: {  	_ =	shalt  }
0x7e: {  	_ =	shalt  }
0x7f: {  	_ =	shalt  }
0x80: {  	_ =	shalt  }
0x81: {  	_ =	shalt  }
0x82: {  	_ =	shalt  }
0x83: {  	_ =	shalt  }
0x84: {  	_ =	shalt  }
0x85: {  	_ =	shalt  }
0x86: {  	_ =	shalt  }
0x87: {  	_ =	shalt  }
.Lfunc_end0:
.L_simem_size_0:
called_computation_lowered:
.L_overlay_start_0:
0x88: {  	s2 =	sld [smem:$0x3FD9]  }
0x89: {  	s3 =	sld [smem:$0x3FFE];
	_ =	sdelay $0x1  }
0x8a: {  	s1 =	srdreg.scid  }
0x8b: {  	s0 =	sand.u32 $0x1, s1  }
0x8c: {  	s14 =	sshll.u32 s0, $0xA;
	s2 =	sadd.s32 s3, s2  }
0x8d: {  	s2 =	sadd.s32 s2, s14  }
0x8e: {  	[smem:$0x3FC5] =	sst s2  }
0x8f: {  	_ = 	snop  }
0x90: {  	s2 =	sld [smem:$0x3FD0];
	_ =	sdelay $0x2  }
0x91: {  	s15 =	simm.s32 $0xB;
	s4 =	simm.s32 $0x10  }
0x92: {  	[smem:s4], [sflag:s15] =	dma.local [hbm:s2], $0x1  }
0x93: {  	_ =	swait.eq [sflag:s15], $0x1  }
0x94: {  	[sflag:s15] =	ssyncset.done $0x0  }
0x95: {  	[sflag:s15] =	ssyncadd.s32 $0xFFFFFFFF  }
0x96: {  	s16 =	sld [smem:$0x10];
	(tm) =	ssettm $0x1  }
0x97: {  	s17 =	sld [smem:$0x3FFB];
	_ =	sdelay $0x3  }
0x98: {  	_ =	strace s17  }
0x99: {  	s3 =	sld [smem:$0x3FFC];
	_ =	sdelay $0x3  }
0x9a: {  	_ =	strace s3  }
0x9b: {  	s3 =	sld [smem:$0x3FFD];
	_ =	sdelay $0x3  }
0x9c: {  	_ =	strace s3  }
0x9d: {  	_ =	strace $0x8FFFFFFF  }
0x9e: {  	s18 =	sld [smem:$0x3FDB];
	_ =	sdelay $0x1  }
0x9f: {  	s19 =	simm.s32 $_scs_section_size  }
0xa0: {  	s5 =	simm.s32 $_size__tile_overlayer_lowered;
	s6 =	simm.s32 $_tile_overlayer_lowered  }
0xa1: {  	s22 =	simm.s32 $0x1BFF;
	s21 =	sshll.u32 s6, $0x1;
	s3 =	sadd.s32 s19, s18  }
0xa2: {  	s7 =	simm.s32 $0x0;
	s20 =	sshll.u32 s5, $0x1;
	s5 =	sadd.s32 s21, s3  }
0xa3: {  	[timem:s7], [sflag:s22] =	dma.local [hbm:s5], s20  }
0xa4: {  	_ =	swait.ge [sflag:s22], s20  }
0xa5: {  	s4 =	ssub.s32 $0x0, s20;
	[sflag:s22] =	ssyncset.done $0x0  }
0xa6: {  	[sflag:s22] =	ssyncadd.s32 s4;
	_ =	sdelay $0x1  }
0xa7: {  	s23 =	simm.s32 $0x1B8B  }
0xa8: {  	_ =	swait.ge [sflag:s23], $0x1  }
0xa9: {  	[sflag:s23] =	ssyncset.done $0x0  }
0xaa: {  	s25 =	simm.s32 $0x1B8E;
	s24 =	sld [smem:$0x3FFE];
	[sflag:s23] =	ssyncadd.s32 $0xFFFFFFFF  }
0xab: {  	s26 =	simm.s32 $execute0_lowered;
	[smem:$0x3FD2] =	sst s25  }
0xac: {  	s5 =	sshll.u32 s26, $0x1;
	_ =	strace $0x80000046;
	[dreg:$0x1] =	wrdreg $0xFFFFFFFF  }
0xad: {  	s28 =	simm.s32 $_size_execute0_lowered;
	s3 =	sadd.s32 s3, s5;
	[dreg:$0x0] =	wrdreg $0x0  }
0xae: {  	s5 =	sshll.u32 s28, $0x1;
	[dreg:$0x2] =	wrdreg s3  }
0xaf: {  	[dreg:$0x3] =	wrdreg s5  }
0xb0: {  	[dreg:$0x4] =	wrdreg $0xC0  }
0xb1: {  	_ =	task [dreg:s7], $0x5FFFF  }
0xb2: {  	[dreg:$0x1] =	wrdreg $0xFFFFFFFF  }
0xb3: {  	[dreg:$0x0] =	wrdreg $0x60  }
0xb4: {  	[dreg:$0x2] =	wrdreg s24  }
0xb5: {  	[dreg:$0x3] =	wrdreg s16  }
0xb6: {  	[dreg:$0x4] =	wrdreg $0x9  }
0xb7: {  	_ =	task.clear_ibuf [dreg:s7], $0x5FFFF;
	_ =	strace $0x90000046  }
0xb8: {  	s29 =	simm.s32 $0x9;
	_ =	strace $0x80000048  }
0xb9: {  	_ =	swait.ge [sflag:s29], $0x1  }
0xba: {  	[sflag:s29] =	ssyncadd.s32 $0xFFFFFFFF  }
0xbb: {  	_ =	strace $0x90000048  }
0xbc: {  	_ =	sfence  }
0xbd: {  	s30 =	sld [smem:$0x0];
	_ =	sdelay $0x2  }
0xbe: {  	s31 =	sshll.u32 s1, $0xD;
	s1 =	sshrl.u32 s1, $0x2  }
0xbf: {  	s3 =	sand.u32 $0x4000, s31;
	s1 =	sadd.s32 s1, s30  }
0xc0: {  	s0 =	sor.u32 s3, s0;
	s1 =	sshll.u32 s1, $0x11  }
0xc1: {  	s0 =	sor.u32 s1, s0  }
0xc2: {  	s0 =	sadd.s32 $0x8F2B, s0  }
0xc3: {  	[sflag:s0] =	ssyncadd.remote.s32 $0x1  }
0xc4: {  	_ =	sfence.sel $0xFFFF  }
0xc5: {  	[dreg:$0x0] =	wrdreg $0xFFFFFFFF;
	(pc) =	sbr.abs _section_cstart, $3  }
0xc6: {  	[dreg:$0x1] =	wrdreg $0xFFFFFFFF  }
0xc7: {  	_ =	task.clear_ibuf [dreg:s7], $0x2FFFF;
	_ =	strace $0x9FFFFFFF  }
0xc8: {  	(tm) =	ssettm $0x7FFFFFFF  }
0xc9: {  	_ =	shalt  }
tec
execute0_lowered:
.L_overlay_start_1:
0x0: {  	(tag) =	ssettag $0x1  }
0x1: {  	s2 =	rddreg [dreg:$0x0];
	s0 =	srdreg.scid  }
0x2: {  	s3 =	rddreg [dreg:$0x1];
	s1 =	stileid.u32;
	s6 =	simm.s32 $0x2  }
0x3: {  	s4 =	sshll.u32 s0, $0x4;
	s0 =	rddreg [dreg:$0x2];
	_ =	strace $0x80000047  }
.Ltmp0:
0x4: {  	s5 =	sand.u32 $0x10, s4;
	s4 =	simm.s32 $0x1;
	(pc) =	sbr.rel .LBB2_1-.Ltmp0, $4  }
0x5: {  	s9 =	simm.s32 $0x3;
	s5 =	sor.u32 s1, s5;
	[sflag:s4] =	ssyncpa.u1 $0x0  }
0x6: {  	s11 =	simm.s32 $0x0;
	s5 =	smul.u32 $0x600, s5;
	[sflag:s6] =	ssyncpa.u1 $0x0  }
0x7: {  	p0 =	por $0x0, $0x0;
	s7 =	sadd.s32 $0x138800, s2;
	[sflag:s9] =	ssyncpa.u1 $0x0  }
0x8: {  	vm0 =	vmmov $0xff;
	vm1 =	vcmask $0x3F20;
	s9 =	simm.s32 $0x0;
	s8 =	sadd.s32 $0x600, s5;
	s10 =	smov.u32 s5  }
.LBB2_6:
0x9: {  	[hbm:s15] =	stream.linear.scatter [tilespmem:s12], [sflag:$0x3], $0x400, $0x38;
	[tilespmem:$0x18300] =	vst v63  }
.LBB2_7:
0xa: {  	p1 =	slt.u32 s9, $0x2;
	s11 =	sadd.s32 $0x180, s10  }
0xb: {  	s13 =	smov.u32 s5;
	s9 =	sadd.s32 $0x1, s9;
	p2 =	slt.s32 s11, s8  }
0xc: {  	s13 =	smov.u32 @p2 s11;
	p2 =	sne.s32 s9, $0x6  }
.Ltmp1:
0xd: {  	_ = 	snop;
	(pc) =	sbr.rel @!p2 .LBB2_8-.Ltmp1, $4  }
0xe: {  	s12 =	simm.s32 @!p1 $0x3  }
0xf: {  	_ =	swait.ge @!p1 [sflag:s12], $0xC000  }
0x10: {  	p0 =	por !p0, !p0;
	[sflag:s12] =	ssyncset.done @!p1 $0x0  }
0x11: {  	s11 =	smov.u32 s10;
	s10 =	smov.u32 s13;
	[sflag:s12] =	ssyncadd.s32 @!p1 $0xFFFF4000  }
.LBB2_1:
0x12: {  	p1 =	sgt.u32 s9, $0x3  }
0x13: {  	s12 =	sxor.u32 @!p1 $0xFFFFFFFF, s9  }
0x14: {  	s12 =	sand.u32 @!p1 $0x1, s12  }
0x15: {  	s12 =	smul.u32 @!p1 $0x600, s12  }
0x16: {  	s31 =	sadd.s32 $0xFFFFFFFF, s9;
	s13 =	sshrl.u32 @!p1 s10, $0x3  }
0x17: {  	s14 =	sand.u32 @!p1 $0x7, s10;
	s13 =	sadd.s32 @!p1 s3, s13;
	s12 =	sshrl.u32 @!p1 s12, $0x2  }
0x18: {  	[tilespmem:s12], [sflag:$0x2] =	stream.linear.gather @!p1 [hbm4b:s13+s14], $0x180, $0x38;
	[tilespmem:$0x18300] =	vst v63  }
0x19: {  	p1 =	sgt.u32 s31, $0x3  }
.Ltmp2:
0x1a: {  	_ = 	snop;
	(pc) =	sbr.rel @p1 .LBB2_7-.Ltmp2, $1  }
0x1b: {  	_ =	sdelay $0x3  }
0x1c: {  	s12 =	simm.s32 $0x1  }
0x1d: {  	s12 =	simm.s32 @!p0 $0x0  }
0x1e: {  	s13 =	smul.u32 $0x600, s12  }
0x1f: {  	_ =	swait.ge [sflag:s6], $0x180  }
0x20: {  	[sflag:s6] =	ssyncset.done $0x0;
	s14 =	sshrl.u32 s13, $0x2  }
0x21: {  	[sflag:s6] =	ssyncadd.s32 $0xFFFFFE80;
	s13 =	sadd.s32 $0x0, s14  }
0x22: {  	v0 =	vld.msk [tilespmem:s13+$0x0 ss:$0x1], $0xffff;
	_ =	sdelay $0x4  }
0x23: {  	v1 =	vand.u32 $0x7, v0;
	v2 =	vshll.u32 v0, $0x4  }
0x24: {  	vm2 =	veq.s32 v0, $0x80000000;
	v0 =	vmul.u32 $0x271000, v1;
	v1 =	vand.u32 $0x3FFF80, v2  }
0x25: {  	v1 =	vsel vm2, $0xFFFFFF80, v1  }
0x26: {  	v0 =	vsel vm2, $0xFFD8F000, v0;
	v2 =	vand.u32 $0xFFFFFC00, v1  }
0x27: {  	v1 =	vand.u32 $0x380, v1;
	v0 =	vadd.s32 v0, v2  }
0x28: {  	v0 =	vor.u32 v1, v0  }
0x29: {  	v0 =	vshrl.u32 v0, $0x3  }
0x2a: {  	s12 =	smul.u32 $0x30000, s12;
	_ =	sdelay $0x1  }
0x2b: {  	s12 =	sshrl.u32 s12, $0x2  }
0x2c: {  	s12 =	sor.u32 $0x300, s12  }
0x2d: {  	[tilespmem:s12], [sflag:$0x1] =	stream.indirect_vreg.gather [hbm:s7], $0x80, v0, vm0, $0x38;
	[tilespmem:$0x18300] =	vst v63  }
0x2e: {  	s15 =	sadd.s32 $0x10, s14;
	s13 =	sadd.s32 $0x400, s12  }
0x2f: {  	[tilespmem:s13], [sflag:$0x1] =	stream.indirect_vreg.gather [hbm:s7], $0x80, v0, vm1, $0x38;
	[tilespmem:$0x18300] =	vst v63  }
0x30: {  	s16 =	simm.s32 $0x80;
	v0 =	vld.msk [tilespmem:s15+$0x0 ss:$0x1], $0xffff;
	s15 =	smov.u32 s12  }
.LBB2_3:
0x31: {  	p1 =	sne.s32 s16, $0x5C0;
	_ =	sdelay $0x4  }
0x32: {  	v1 =	vand.u32 $0x7, v0;
	v2 =	vshll.u32 v0, $0x4  }
0x33: {  	vm2 =	veq.s32 v0, $0x80000000;
	v0 =	vmul.u32 $0x271000, v1;
	v1 =	vand.u32 $0x3FFF80, v2  }
0x34: {  	v1 =	vsel vm2, $0xFFFFFF80, v1  }
0x35: {  	v0 =	vsel vm2, $0xFFD8F000, v0;
	v2 =	vand.u32 $0xFFFFFC00, v1  }
0x36: {  	v1 =	vand.u32 $0x380, v1;
	v0 =	vadd.s32 v0, v2  }
0x37: {  	v0 =	vor.u32 v1, v0  }
0x38: {  	v0 =	vshrl.u32 v0, $0x3;
	_ =	sdelay $0x3  }
.Ltmp3:
0x39: {  	s17 =	sshra.s32 s16, $0x2;
	s15 =	sadd.s32 $0x800, s15;
	(pc) =	sbr.rel @p1 .LBB2_3-.Ltmp3, $4  }
0x3a: {  	[tilespmem:s15], [sflag:$0x1] =	stream.indirect_vreg.gather [hbm:s7], $0x80, v0, vm0, $0x38;
	[tilespmem:$0x18300] =	vst v63  }
0x3b: {  	s17 =	sadd.s32 s17, s14;
	s18 =	sadd.s32 $0x400, s15  }
0x3c: {  	[tilespmem:s18], [sflag:$0x1] =	stream.indirect_vreg.gather [hbm:s7], $0x80, v0, vm1, $0x38;
	[tilespmem:$0x18300] =	vst v63  }
0x3d: {  	s16 =	sadd.s32 $0x40, s16;
	v0 =	vld.msk [tilespmem:s17+$0x0 ss:$0x1], $0xffff  }
0x3e: {  	_ =	sdelay $0x3  }
0x3f: {  	v1 =	vand.u32 $0x7, v0;
	v2 =	vshll.u32 v0, $0x4  }
0x40: {  	vm2 =	veq.s32 v0, $0x80000000;
	v61 =	vmul.u32 $0x271000, v1;
	v62 =	vand.u32 $0x3FFF80, v2  }
0x41: {  	v1 =	vsel vm2, $0xFFFFFF80, v62  }
0x42: {  	v0 =	vsel vm2, $0xFFD8F000, v61;
	v63 =	vand.u32 $0xFFFFFC00, v1  }
0x43: {  	v1 =	vand.u32 $0x380, v1;
	v0 =	vadd.s32 v0, v63  }
0x44: {  	v0 =	vor.u32 v1, v0  }
0x45: {  	v0 =	vshrl.u32 v0, $0x3;
	_ =	sdelay $0x3  }
0x46: {  	s14 =	sadd.s32 $0x800, s15  }
0x47: {  	[tilespmem:s14], [sflag:$0x1] =	stream.indirect_vreg.gather [hbm:s7], $0x80, v0, vm0, $0x38;
	[tilespmem:$0x18300] =	vst v63  }
0x48: {  	s14 =	sadd.s32 $0x400, s14  }
0x49: {  	[tilespmem:s14], [sflag:$0x1] =	stream.indirect_vreg.gather [hbm:s7], $0x80, v0, vm1, $0x38;
	[tilespmem:$0x18300] =	vst v63  }
0x4a: {  	s11 =	sshll.u32 s11, $0x4;
	_ =	swait.ge [sflag:s4], $0xC000  }
0x4b: {  	s11 =	sadd.s32 s11, s2;
	[sflag:s4] =	ssyncset.done $0x0  }
0x4c: {  	s15 =	sadd.s32 $0x0, s11;
	s14 =	simm.s32 $0x80;
	[sflag:s4] =	ssyncadd.s32 $0xFFFF4000  }
.LBB2_5:
0x4d: {  	[hbm:s15] =	stream.linear.scatter [tilespmem:s12], [sflag:$0x3], $0x400, $0x38;
	[tilespmem:$0x18300] =	vst v63  }
0x4e: {  	s15 =	smov.u32 s14;
	s12 =	smov.u32 s13;
	p1 =	sne.s32 s14, $0x1780  }
.Ltmp4:
0x4f: {  	s14 =	sadd.s32 $0x80, s14;
	(pc) =	sbr.rel @p1 .LBB2_5-.Ltmp4, $2  }
0x50: {  	_ =	sdelay $0x2  }
0x51: {  	s13 =	sadd.s32 $0x400, s13;
	s15 =	sadd.s32 s15, s11  }
.Ltmp5:
0x52: {  	_ = 	snop;
	(pc) =	sbr.rel .LBB2_6-.Ltmp5, $1  }
0x53: {  	_ =	sdelay $0x3  }
.LBB2_8:
0x54: {  	_ =	sfence.sel $0x180000  }
0x55: {  	s2 =	simm.s32 $0x2;
	[bflag:$0x0] =	sbarrier.arrive $0xFFFF  }
0x56: {  	s30 =	simm.s32 $0x3;
	[sflag:s2] =	ssyncpa.u1 $0x1  }
0x57: {  	s31 =	simm.s32 $0x1;
	[sflag:s30] =	ssyncpa.u1 $0x1  }
0x58: {  	[sflag:s31] =	ssyncpa.u1 $0x1  }
0x59: {  	p0 =	sne.s32 s1, $0x0;
	_ =	strace $0x90000047  }
0x5a: {  	s0 =	sadd.s32 @!p0 $0x100000, s0;
	[bflag:$0x2] =	sbarrier.arrive $0xFFFF  }
0x5b: {  	[sflag:s0] =	ssyncadd.tile.s32 @!p0 $0x1;
	_ =	shalt  }
.Lfunc_end2:
_tile_overlayer_lowered:
.L_overlay_start_2:
0x5c: {  	(tag) =	ssettag $0x2  }
0x5d: {  	s0 =	rddreg [dreg:$0x0];
	s2 =	stileid.u32  }
0x5e: {  	s1 =	rddreg [dreg:$0x1];
	p0 =	sne.s32 s2, $0x0  }
0x5f: {  	s3 =	rddreg [dreg:$0x2];
	[bflag:$0x3] =	sbarrier.arrive $0xFFFF;
	s2 =	simm.s32 @!p0 $0x1C01  }
0x60: {  	[timem:s3], [sflag:s2] =	dma.local @!p0 [hbm:s0], s1  }
0x61: {  	s0 =	simm.s32 @!p0 $0x1  }
0x62: {  	_ =	swait.ge @!p0 [sflag:s0], s1  }
0x63: {  	s1 =	ssub.s32 @!p0 $0x0, s1;
	[sflag:s0] =	ssyncset.done @!p0 $0x0  }
0x64: {  	[sflag:s0] =	ssyncadd.s32 @!p0 s1  }
0x65: {  	[bflag:$0x3] =	sbarrier.arrive $0xFFFF  }
0x66: {  	_ =	shalt  }

</sc_bundles>
